<compile_context>
chip_gen: v7x
topology: tpu7x:2x2x1
jax: 0.10.2.dev20260603
libtpu: 0.0.44.dev20260713+nightly
codegen_flags: <defaults>
</compile_context>

<pallas_src>
import jax
import jax.numpy as jnp
import numpy as np
from jax import lax
from jax.experimental import pallas as pl
from jax.experimental.pallas import tpu as pltpu
from jax.experimental.pallas import tpu_sc as plsc

_SEQ_LEN = 8192
_EMBED_DIM = 64
_VOCAB1 = 100001


def _pos_encoding_np(position, d_model):
    i = np.arange(d_model)[np.newaxis, :]
    pos = np.arange(position)[:, np.newaxis]
    angle_rates = 1.0 / np.power(10000, 2 * (i // 2) / np.float32(d_model))
    angle_rads = pos * angle_rates
    angle_rads[:, 0::2] = np.sin(angle_rads[:, 0::2])
    angle_rads[:, 1::2] = np.cos(angle_rads[:, 1::2])
    return angle_rads.astype(np.float32)


_POS_T = np.ascontiguousarray(_pos_encoding_np(_SEQ_LEN, _EMBED_DIM).T)

_INFO = plsc.get_sparse_core_info()
_NC, _NS = _INFO.num_cores, _INFO.num_subcores
_NW = _NC * _NS
_E_PER_W = _EMBED_DIM // _NW


def _sc_body(x_hbm, posT_hbm, tabT_hbm, outT_hbm, idx_v, row_v, acc0_v,
             acc1_v, sem_x, sem_r, sem_a, sem_b, sem_w):
    wid = lax.axis_index("s") * _NC + lax.axis_index("c")
    e0 = wid * _E_PER_W
    e1 = e0 + 1
    with jax.named_scope("stage"):
        x_cp = pltpu.async_copy(x_hbm, idx_v, sem_x)
        row_cp = pltpu.async_copy(tabT_hbm.at[e0], row_v, sem_r)
        pos0_cp = pltpu.async_copy(posT_hbm.at[e0], acc0_v, sem_a)
        x_cp.wait()
        pos0_cp.wait()
        row_cp.wait()

    def make_gat(acc_v):
        def gat(g, _):
            v16 = idx_v[pl.ds(g * 16, 16)]
            vals = plsc.load_gather(row_v, [v16])
            plsc.addupdate(acc_v.at[pl.ds(g * 16, 16)], vals)
            return 0
        return gat

    with jax.named_scope("gather0"):
        lax.fori_loop(0, _SEQ_LEN // 16, make_gat(acc0_v), 0, unroll=8)

    with jax.named_scope("stage1"):
        wb0_cp = pltpu.async_copy(acc0_v, outT_hbm.at[e0], sem_w)
        row1_cp = pltpu.async_copy(tabT_hbm.at[e1], row_v, sem_r)
        pos1_cp = pltpu.async_copy(posT_hbm.at[e1], acc1_v, sem_b)
        pos1_cp.wait()
        row1_cp.wait()

    with jax.named_scope("gather1"):
        half = _SEQ_LEN // 32
        lax.fori_loop(0, half, make_gat(acc1_v), 0, unroll=8)
        wb1a_cp = pltpu.async_copy(acc1_v.at[pl.ds(0, _SEQ_LEN // 2)],
                                   outT_hbm.at[e1, pl.ds(0, _SEQ_LEN // 2)],
                                   sem_w)
        lax.fori_loop(half, 2 * half, make_gat(acc1_v), 0, unroll=8)

    with jax.named_scope("writeback"):
        wb0_cp.wait()
        wb1a_cp.wait()
        pltpu.sync_copy(acc1_v.at[pl.ds(_SEQ_LEN // 2, _SEQ_LEN // 2)],
                        outT_hbm.at[e1, pl.ds(_SEQ_LEN // 2, _SEQ_LEN // 2)])


def _embed(x_i32, posT, tabT):
    mesh = plsc.VectorSubcoreMesh(core_axis_name="c", subcore_axis_name="s")
    return pl.kernel(
        _sc_body,
        out_type=jax.ShapeDtypeStruct((_EMBED_DIM, _SEQ_LEN), jnp.float32),
        mesh=mesh,
        scratch_types=[
            pltpu.VMEM((_SEQ_LEN,), jnp.int32),
            pltpu.VMEM((_VOCAB1,), jnp.float32),
            pltpu.VMEM((_SEQ_LEN,), jnp.float32),
            pltpu.VMEM((_SEQ_LEN,), jnp.float32),
            pltpu.SemaphoreType.DMA,
            pltpu.SemaphoreType.DMA,
            pltpu.SemaphoreType.DMA,
            pltpu.SemaphoreType.DMA,
            pltpu.SemaphoreType.DMA,
        ],
        compiler_params=pltpu.CompilerParams(use_tc_tiling_on_sc=True,
                                            needs_layout_passes=False),
    )(x_i32, posT, tabT)


def kernel(x, table):
    x_i32 = x.astype(jnp.int32)
    posT = jnp.asarray(_POS_T)
    outT = _embed(x_i32, posT, table.T)
    return outT.T.reshape(1, _SEQ_LEN, _EMBED_DIM)

# --- scband reference (transcript-rebuilt; emitter-appended) ---
"""Pipeline reference for scband-embeddings-layer-16423954939922 (READ-ONLY COPY).

The authoritative reference and input builder live on the scoring server;
editing this copy changes nothing except your own understanding.
"""

import jax, jax.numpy as jnp
import numpy as np

VOCAB_SIZE = 100000
EMBED_DIM = 64
SEQ_LEN = 8192


def _get_angles(pos, i, d_model):
    angle_rates = 1.0 / np.power(10000, 2 * (i // 2) / np.float32(d_model))
    return pos * angle_rates


def _positional_encoding(position, d_model):
    angle_rads = _get_angles(np.arange(position)[:, np.newaxis],
                             np.arange(d_model)[np.newaxis, :],
                             d_model)
    angle_rads[:, 0::2] = np.sin(angle_rads[:, 0::2])
    angle_rads[:, 1::2] = np.cos(angle_rads[:, 1::2])
    pos_encoding = angle_rads[np.newaxis, ...]
    return jnp.asarray(pos_encoding, dtype=jnp.float32)


def setup_inputs(seed: int = 0) -> dict:
    key = jax.random.key(seed)
    k_idx, k_emb = jax.random.split(key)
    x = jax.random.randint(k_idx, (SEQ_LEN,), 0, VOCAB_SIZE).astype(jnp.int64)
    # Embedding table sized (vocab_size + 1, embed_dim) as in the Keras layer
    table = jax.random.normal(k_emb, (VOCAB_SIZE + 1, EMBED_DIM), dtype=jnp.float32) * 0.05
    return {"x": x, "table": table}


def reference(x, table):
    length = x.shape[0]
    pos = _positional_encoding(length, EMBED_DIM)  # [1, length, embed_dim]
    emb = jnp.take(table, x.astype(jnp.int32), axis=0)  # [length, embed_dim]
    r = jnp.reshape(emb, (1, length, EMBED_DIM)) + pos
    return r

if __name__ == "__main__":
    import jax
    _d = setup_inputs()
    print(jax.jit(kernel)(*tuple(_d.values())))

</pallas_src>

<mosaic_0001>
#map = affine_map<(d0, d1) -> (0)>
#map1 = affine_map<(d0, d1) -> (0, 0)>
module attributes {stable_mosaic.version = 14 : i64} {
  func.func @_sc_body(%arg0: i32, %arg1: i32, %arg2: memref<8192xi32, #tpu.memory_space<hbm>>, %arg3: memref<64x8192xf32, #tpu.memory_space<hbm>>, %arg4: memref<64x100001xf32, #tpu.memory_space<hbm>>, %arg5: memref<64x8192xf32, #tpu.memory_space<hbm>>, %arg6: memref<8192xi32, #tpu.memory_space<vmem>>, %arg7: memref<100001xf32, #tpu.memory_space<vmem>>, %arg8: memref<8192xf32, #tpu.memory_space<vmem>>, %arg9: memref<8192xf32, #tpu.memory_space<vmem>>, %arg10: memref<!tpu.dma_semaphore, #tpu.memory_space<semaphore_mem>>, %arg11: memref<!tpu.dma_semaphore, #tpu.memory_space<semaphore_mem>>, %arg12: memref<!tpu.dma_semaphore, #tpu.memory_space<semaphore_mem>>, %arg13: memref<!tpu.dma_semaphore, #tpu.memory_space<semaphore_mem>>, %arg14: memref<!tpu.dma_semaphore, #tpu.memory_space<semaphore_mem>>) attributes {dimension_semantics = [#tpu.dimension_semantics<core_parallel>, #tpu.dimension_semantics<subcore_parallel>], iteration_bounds = array<i64: 2, 16>, scalar_prefetch = 0 : i64, scratch_operands = 9 : i64, tpu.core_type = #tpu.core_type<sc_vector_subcore>, window_params = [{transform_indices = #map}, {transform_indices = #map1}, {transform_indices = #map1}, {transform_indices = #map1}]} {
    %mul3A = arith.constant 2 : i32
    %mul3A_0 = arith.muli %arg1, %mul3A : i32
    %add3A = arith.addi %mul3A_0, %arg0 : i32
    %mul3A_1 = arith.constant 2 : i32
    %mul3A_2 = arith.muli %add3A, %mul3A_1 : i32
    %add3A_3 = arith.constant 1 : i32
    %add3A_4 = arith.addi %mul3A_2, %add3A_3 : i32
    "tpu.trace_start"() <{level = 10 : i32, message = "stage"}> : () -> ()
    tpu.enqueue_dma source(%arg2 : memref<8192xi32, #tpu.memory_space<hbm>>) target(%arg6 : memref<8192xi32, #tpu.memory_space<vmem>>) target_semaphore(%arg10 : memref<!tpu.dma_semaphore, #tpu.memory_space<semaphore_mem>>)
    %dma_start3A = arith.constant 0 : i32
    %dma_start3A_5 = tpu.memref_slice %arg4[%mul3A_2, %dma_start3A] : memref<64x100001xf32, #tpu.memory_space<hbm>> -> memref<1x100001xf32, #tpu.memory_space<hbm>>
    %dma_start3A_6 = tpu.memref_squeeze %dma_start3A_5 : memref<1x100001xf32, #tpu.memory_space<hbm>> -> memref<100001xf32, #tpu.memory_space<hbm>>
    %dma_start3A_7 = arith.constant 0 : i32
    %dma_start3A_8 = tpu.memref_slice %arg4[%mul3A_2, %dma_start3A_7] : memref<64x100001xf32, #tpu.memory_space<hbm>> -> memref<1x100001xf32, #tpu.memory_space<hbm>>
    %dma_start3A_9 = tpu.memref_squeeze %dma_start3A_8 : memref<1x100001xf32, #tpu.memory_space<hbm>> -> memref<100001xf32, #tpu.memory_space<hbm>>
    tpu.enqueue_dma source(%dma_start3A_9 : memref<100001xf32, #tpu.memory_space<hbm>>) target(%arg7 : memref<100001xf32, #tpu.memory_space<vmem>>) target_semaphore(%arg11 : memref<!tpu.dma_semaphore, #tpu.memory_space<semaphore_mem>>)
    %dma_start3A_10 = arith.constant 0 : i32
    %dma_start3A_11 = tpu.memref_slice %arg3[%mul3A_2, %dma_start3A_10] : memref<64x8192xf32, #tpu.memory_space<hbm>> -> memref<1x8192xf32, #tpu.memory_space<hbm>>
    %dma_start3A_12 = tpu.memref_squeeze %dma_start3A_11 : memref<1x8192xf32, #tpu.memory_space<hbm>> -> memref<8192xf32, #tpu.memory_space<hbm>>
    %dma_start3A_13 = arith.constant 0 : i32
    %dma_start3A_14 = tpu.memref_slice %arg3[%mul3A_2, %dma_start3A_13] : memref<64x8192xf32, #tpu.memory_space<hbm>> -> memref<1x8192xf32, #tpu.memory_space<hbm>>
    %dma_start3A_15 = tpu.memref_squeeze %dma_start3A_14 : memref<1x8192xf32, #tpu.memory_space<hbm>> -> memref<8192xf32, #tpu.memory_space<hbm>>
    tpu.enqueue_dma source(%dma_start3A_15 : memref<8192xf32, #tpu.memory_space<hbm>>) target(%arg8 : memref<8192xf32, #tpu.memory_space<vmem>>) target_semaphore(%arg12 : memref<!tpu.dma_semaphore, #tpu.memory_space<semaphore_mem>>)
    tpu.wait_dma2 semaphore(%arg10 : memref<!tpu.dma_semaphore, #tpu.memory_space<semaphore_mem>>) src(%arg2 : memref<8192xi32, #tpu.memory_space<hbm>>) dst(%arg6 : memref<8192xi32, #tpu.memory_space<vmem>>)
    %dma_wait3A = arith.constant 0 : i32
    %dma_wait3A_16 = tpu.memref_slice %arg3[%mul3A_2, %dma_wait3A] : memref<64x8192xf32, #tpu.memory_space<hbm>> -> memref<1x8192xf32, #tpu.memory_space<hbm>>
    %dma_wait3A_17 = tpu.memref_squeeze %dma_wait3A_16 : memref<1x8192xf32, #tpu.memory_space<hbm>> -> memref<8192xf32, #tpu.memory_space<hbm>>
    %dma_wait3A_18 = arith.constant 0 : i32
    %dma_wait3A_19 = tpu.memref_slice %arg3[%mul3A_2, %dma_wait3A_18] : memref<64x8192xf32, #tpu.memory_space<hbm>> -> memref<1x8192xf32, #tpu.memory_space<hbm>>
    %dma_wait3A_20 = tpu.memref_squeeze %dma_wait3A_19 : memref<1x8192xf32, #tpu.memory_space<hbm>> -> memref<8192xf32, #tpu.memory_space<hbm>>
    tpu.wait_dma2 semaphore(%arg12 : memref<!tpu.dma_semaphore, #tpu.memory_space<semaphore_mem>>) src(%dma_wait3A_20 : memref<8192xf32, #tpu.memory_space<hbm>>) dst(%arg8 : memref<8192xf32, #tpu.memory_space<vmem>>)
    %dma_wait3A_21 = arith.constant 0 : i32
    %dma_wait3A_22 = tpu.memref_slice %arg4[%mul3A_2, %dma_wait3A_21] : memref<64x100001xf32, #tpu.memory_space<hbm>> -> memref<1x100001xf32, #tpu.memory_space<hbm>>
    %dma_wait3A_23 = tpu.memref_squeeze %dma_wait3A_22 : memref<1x100001xf32, #tpu.memory_space<hbm>> -> memref<100001xf32, #tpu.memory_space<hbm>>
    %dma_wait3A_24 = arith.constant 0 : i32
    %dma_wait3A_25 = tpu.memref_slice %arg4[%mul3A_2, %dma_wait3A_24] : memref<64x100001xf32, #tpu.memory_space<hbm>> -> memref<1x100001xf32, #tpu.memory_space<hbm>>
    %dma_wait3A_26 = tpu.memref_squeeze %dma_wait3A_25 : memref<1x100001xf32, #tpu.memory_space<hbm>> -> memref<100001xf32, #tpu.memory_space<hbm>>
    tpu.wait_dma2 semaphore(%arg11 : memref<!tpu.dma_semaphore, #tpu.memory_space<semaphore_mem>>) src(%dma_wait3A_26 : memref<100001xf32, #tpu.memory_space<hbm>>) dst(%arg7 : memref<100001xf32, #tpu.memory_space<vmem>>)
    "tpu.trace_stop"() : () -> ()
    "tpu.trace_start"() <{level = 10 : i32, message = "gather0"}> : () -> ()
    %scan3A = arith.constant 0 : i32
    %scan3A_27 = arith.constant 0 : i32
    %scan3A_28 = arith.constant 512 : i32
    %scan3A_29 = arith.addi %scan3A_27, %scan3A_28 : i32
    %scan3A_30 = arith.constant 8 : i32
    %scan3A_31 = scf.for %scan3A_103 = %scan3A_27 to %scan3A_29 step %scan3A_30 iter_args(%scan3A_104 = %scan3A) -> (i32)  : i32 {
      %mul3A_105 = arith.constant 16 : i32
      %mul3A_106 = arith.muli %scan3A_103, %mul3A_105 : i32
      %get3A = arith.index_cast %mul3A_106 : i32 to index
      %get3A_107 = tpu.vector_load %arg6[%get3A] {strides = array<i32>} : memref<8192xi32, #tpu.memory_space<vmem>>, vector<16xi32>,
      %gather3A = tpu.vector_load_idx %arg7[%get3A_107] : memref<100001xf32, #tpu.memory_space<vmem>>[vector<16xi32>], vector<16xf32>,
      %mul3A_108 = arith.constant 16 : i32
      %mul3A_109 = arith.muli %scan3A_103, %mul3A_108 : i32
      %swap3A = arith.index_cast %mul3A_109 : i32 to index
      %swap3A_110 = tpu.vector_load %arg8[%swap3A] {strides = array<i32>} : memref<8192xf32, #tpu.memory_space<vmem>>, vector<16xf32>,
      tpu.vector_store %arg8[%swap3A], %gather3A {add = true, strides = array<i32>} : memref<8192xf32, #tpu.memory_space<vmem>>, vector<16xf32>,
      %scan3A_111 = arith.constant 0 : i32
      %scan3A_112 = arith.constant 1 : i32
      %scan3A_113 = arith.addi %scan3A_103, %scan3A_112 : i32
      %mul3A_114 = arith.constant 16 : i32
      %mul3A_115 = arith.muli %scan3A_113, %mul3A_114 : i32
      %get3A_116 = arith.index_cast %mul3A_115 : i32 to index
      %get3A_117 = tpu.vector_load %arg6[%get3A_116] {strides = array<i32>} : memref<8192xi32, #tpu.memory_space<vmem>>, vector<16xi32>,
      %gather3A_118 = tpu.vector_load_idx %arg7[%get3A_117] : memref<100001xf32, #tpu.memory_space<vmem>>[vector<16xi32>], vector<16xf32>,
      %mul3A_119 = arith.constant 16 : i32
      %mul3A_120 = arith.muli %scan3A_113, %mul3A_119 : i32
      %swap3A_121 = arith.index_cast %mul3A_120 : i32 to index
      %swap3A_122 = tpu.vector_load %arg8[%swap3A_121] {strides = array<i32>} : memref<8192xf32, #tpu.memory_space<vmem>>, vector<16xf32>,
      tpu.vector_store %arg8[%swap3A_121], %gather3A_118 {add = true, strides = array<i32>} : memref<8192xf32, #tpu.memory_space<vmem>>, vector<16xf32>,
      %scan3A_123 = arith.constant 0 : i32
      %scan3A_124 = arith.constant 2 : i32
      %scan3A_125 = arith.addi %scan3A_103, %scan3A_124 : i32
      %mul3A_126 = arith.constant 16 : i32
      %mul3A_127 = arith.muli %scan3A_125, %mul3A_126 : i32
      %get3A_128 = arith.index_cast %mul3A_127 : i32 to index
      %get3A_129 = tpu.vector_load %arg6[%get3A_128] {strides = array<i32>} : memref<8192xi32, #tpu.memory_space<vmem>>, vector<16xi32>,
      %gather3A_130 = tpu.vector_load_idx %arg7[%get3A_129] : memref<100001xf32, #tpu.memory_space<vmem>>[vector<16xi32>], vector<16xf32>,
      %mul3A_131 = arith.constant 16 : i32
      %mul3A_132 = arith.muli %scan3A_125, %mul3A_131 : i32
      %swap3A_133 = arith.index_cast %mul3A_132 : i32 to index
      %swap3A_134 = tpu.vector_load %arg8[%swap3A_133] {strides = array<i32>} : memref<8192xf32, #tpu.memory_space<vmem>>, vector<16xf32>,
      tpu.vector_store %arg8[%swap3A_133], %gather3A_130 {add = true, strides = array<i32>} : memref<8192xf32, #tpu.memory_space<vmem>>, vector<16xf32>,
      %scan3A_135 = arith.constant 0 : i32
      %scan3A_136 = arith.constant 3 : i32
      %scan3A_137 = arith.addi %scan3A_103, %scan3A_136 : i32
      %mul3A_138 = arith.constant 16 : i32
      %mul3A_139 = arith.muli %scan3A_137, %mul3A_138 : i32
      %get3A_140 = arith.index_cast %mul3A_139 : i32 to index
      %get3A_141 = tpu.vector_load %arg6[%get3A_140] {strides = array<i32>} : memref<8192xi32, #tpu.memory_space<vmem>>, vector<16xi32>,
      %gather3A_142 = tpu.vector_load_idx %arg7[%get3A_141] : memref<100001xf32, #tpu.memory_space<vmem>>[vector<16xi32>], vector<16xf32>,
      %mul3A_143 = arith.constant 16 : i32
      %mul3A_144 = arith.muli %scan3A_137, %mul3A_143 : i32
      %swap3A_145 = arith.index_cast %mul3A_144 : i32 to index
      %swap3A_146 = tpu.vector_load %arg8[%swap3A_145] {strides = array<i32>} : memref<8192xf32, #tpu.memory_space<vmem>>, vector<16xf32>,
      tpu.vector_store %arg8[%swap3A_145], %gather3A_142 {add = true, strides = array<i32>} : memref<8192xf32, #tpu.memory_space<vmem>>, vector<16xf32>,
      %scan3A_147 = arith.constant 0 : i32
      %scan3A_148 = arith.constant 4 : i32
      %scan3A_149 = arith.addi %scan3A_103, %scan3A_148 : i32
      %mul3A_150 = arith.constant 16 : i32
      %mul3A_151 = arith.muli %scan3A_149, %mul3A_150 : i32
      %get3A_152 = arith.index_cast %mul3A_151 : i32 to index
      %get3A_153 = tpu.vector_load %arg6[%get3A_152] {strides = array<i32>} : memref<8192xi32, #tpu.memory_space<vmem>>, vector<16xi32>,
      %gather3A_154 = tpu.vector_load_idx %arg7[%get3A_153] : memref<100001xf32, #tpu.memory_space<vmem>>[vector<16xi32>], vector<16xf32>,
      %mul3A_155 = arith.constant 16 : i32
      %mul3A_156 = arith.muli %scan3A_149, %mul3A_155 : i32
      %swap3A_157 = arith.index_cast %mul3A_156 : i32 to index
      %swap3A_158 = tpu.vector_load %arg8[%swap3A_157] {strides = array<i32>} : memref<8192xf32, #tpu.memory_space<vmem>>, vector<16xf32>,
      tpu.vector_store %arg8[%swap3A_157], %gather3A_154 {add = true, strides = array<i32>} : memref<8192xf32, #tpu.memory_space<vmem>>, vector<16xf32>,
      %scan3A_159 = arith.constant 0 : i32
      %scan3A_160 = arith.constant 5 : i32
      %scan3A_161 = arith.addi %scan3A_103, %scan3A_160 : i32
      %mul3A_162 = arith.constant 16 : i32
      %mul3A_163 = arith.muli %scan3A_161, %mul3A_162 : i32
      %get3A_164 = arith.index_cast %mul3A_163 : i32 to index
      %get3A_165 = tpu.vector_load %arg6[%get3A_164] {strides = array<i32>} : memref<8192xi32, #tpu.memory_space<vmem>>, vector<16xi32>,
      %gather3A_166 = tpu.vector_load_idx %arg7[%get3A_165] : memref<100001xf32, #tpu.memory_space<vmem>>[vector<16xi32>], vector<16xf32>,
      %mul3A_167 = arith.constant 16 : i32
      %mul3A_168 = arith.muli %scan3A_161, %mul3A_167 : i32
      %swap3A_169 = arith.index_cast %mul3A_168 : i32 to index
      %swap3A_170 = tpu.vector_load %arg8[%swap3A_169] {strides = array<i32>} : memref<8192xf32, #tpu.memory_space<vmem>>, vector<16xf32>,
      tpu.vector_store %arg8[%swap3A_169], %gather3A_166 {add = true, strides = array<i32>} : memref<8192xf32, #tpu.memory_space<vmem>>, vector<16xf32>,
      %scan3A_171 = arith.constant 0 : i32
      %scan3A_172 = arith.constant 6 : i32
      %scan3A_173 = arith.addi %scan3A_103, %scan3A_172 : i32
      %mul3A_174 = arith.constant 16 : i32
      %mul3A_175 = arith.muli %scan3A_173, %mul3A_174 : i32
      %get3A_176 = arith.index_cast %mul3A_175 : i32 to index
      %get3A_177 = tpu.vector_load %arg6[%get3A_176] {strides = array<i32>} : memref<8192xi32, #tpu.memory_space<vmem>>, vector<16xi32>,
      %gather3A_178 = tpu.vector_load_idx %arg7[%get3A_177] : memref<100001xf32, #tpu.memory_space<vmem>>[vector<16xi32>], vector<16xf32>,
      %mul3A_179 = arith.constant 16 : i32
      %mul3A_180 = arith.muli %scan3A_173, %mul3A_179 : i32
      %swap3A_181 = arith.index_cast %mul3A_180 : i32 to index
      %swap3A_182 = tpu.vector_load %arg8[%swap3A_181] {strides = array<i32>} : memref<8192xf32, #tpu.memory_space<vmem>>, vector<16xf32>,
      tpu.vector_store %arg8[%swap3A_181], %gather3A_178 {add = true, strides = array<i32>} : memref<8192xf32, #tpu.memory_space<vmem>>, vector<16xf32>,
      %scan3A_183 = arith.constant 0 : i32
      %scan3A_184 = arith.constant 7 : i32
      %scan3A_185 = arith.addi %scan3A_103, %scan3A_184 : i32
      %mul3A_186 = arith.constant 16 : i32
      %mul3A_187 = arith.muli %scan3A_185, %mul3A_186 : i32
      %get3A_188 = arith.index_cast %mul3A_187 : i32 to index
      %get3A_189 = tpu.vector_load %arg6[%get3A_188] {strides = array<i32>} : memref<8192xi32, #tpu.memory_space<vmem>>, vector<16xi32>,
      %gather3A_190 = tpu.vector_load_idx %arg7[%get3A_189] : memref<100001xf32, #tpu.memory_space<vmem>>[vector<16xi32>], vector<16xf32>,
      %mul3A_191 = arith.constant 16 : i32
      %mul3A_192 = arith.muli %scan3A_185, %mul3A_191 : i32
      %swap3A_193 = arith.index_cast %mul3A_192 : i32 to index
      %swap3A_194 = tpu.vector_load %arg8[%swap3A_193] {strides = array<i32>} : memref<8192xf32, #tpu.memory_space<vmem>>, vector<16xf32>,
      tpu.vector_store %arg8[%swap3A_193], %gather3A_190 {add = true, strides = array<i32>} : memref<8192xf32, #tpu.memory_space<vmem>>, vector<16xf32>,
      %scan3A_195 = arith.constant 0 : i32
      scf.yield %scan3A_195 : i32
    }
    %scan3A_32 = arith.constant 512 : i32
    "tpu.trace_stop"() : () -> ()
    "tpu.trace_start"() <{level = 10 : i32, message = "stage1"}> : () -> ()
    %dma_start3A_33 = arith.constant 0 : i32
    %dma_start3A_34 = tpu.memref_slice %arg5[%mul3A_2, %dma_start3A_33] : memref<64x8192xf32, #tpu.memory_space<hbm>> -> memref<1x8192xf32, #tpu.memory_space<hbm>>
    %dma_start3A_35 = tpu.memref_squeeze %dma_start3A_34 : memref<1x8192xf32, #tpu.memory_space<hbm>> -> memref<8192xf32, #tpu.memory_space<hbm>>
    %dma_start3A_36 = arith.constant 0 : i32
    %dma_start3A_37 = tpu.memref_slice %arg5[%mul3A_2, %dma_start3A_36] : memref<64x8192xf32, #tpu.memory_space<hbm>> -> memref<1x8192xf32, #tpu.memory_space<hbm>>
    %dma_start3A_38 = tpu.memref_squeeze %dma_start3A_37 : memref<1x8192xf32, #tpu.memory_space<hbm>> -> memref<8192xf32, #tpu.memory_space<hbm>>
    tpu.enqueue_dma source(%arg8 : memref<8192xf32, #tpu.memory_space<vmem>>) target(%dma_start3A_38 : memref<8192xf32, #tpu.memory_space<hbm>>) target_semaphore(%arg14 : memref<!tpu.dma_semaphore, #tpu.memory_space<semaphore_mem>>)
    %dma_start3A_39 = arith.constant 0 : i32
    %dma_start3A_40 = tpu.memref_slice %arg4[%add3A_4, %dma_start3A_39] : memref<64x100001xf32, #tpu.memory_space<hbm>> -> memref<1x100001xf32, #tpu.memory_space<hbm>>
    %dma_start3A_41 = tpu.memref_squeeze %dma_start3A_40 : memref<1x100001xf32, #tpu.memory_space<hbm>> -> memref<100001xf32, #tpu.memory_space<hbm>>
    %dma_start3A_42 = arith.constant 0 : i32
    %dma_start3A_43 = tpu.memref_slice %arg4[%add3A_4, %dma_start3A_42] : memref<64x100001xf32, #tpu.memory_space<hbm>> -> memref<1x100001xf32, #tpu.memory_space<hbm>>
    %dma_start3A_44 = tpu.memref_squeeze %dma_start3A_43 : memref<1x100001xf32, #tpu.memory_space<hbm>> -> memref<100001xf32, #tpu.memory_space<hbm>>
    tpu.enqueue_dma source(%dma_start3A_44 : memref<100001xf32, #tpu.memory_space<hbm>>) target(%arg7 : memref<100001xf32, #tpu.memory_space<vmem>>) target_semaphore(%arg11 : memref<!tpu.dma_semaphore, #tpu.memory_space<semaphore_mem>>)
    %dma_start3A_45 = arith.constant 0 : i32
    %dma_start3A_46 = tpu.memref_slice %arg3[%add3A_4, %dma_start3A_45] : memref<64x8192xf32, #tpu.memory_space<hbm>> -> memref<1x8192xf32, #tpu.memory_space<hbm>>
    %dma_start3A_47 = tpu.memref_squeeze %dma_start3A_46 : memref<1x8192xf32, #tpu.memory_space<hbm>> -> memref<8192xf32, #tpu.memory_space<hbm>>
    %dma_start3A_48 = arith.constant 0 : i32
    %dma_start3A_49 = tpu.memref_slice %arg3[%add3A_4, %dma_start3A_48] : memref<64x8192xf32, #tpu.memory_space<hbm>> -> memref<1x8192xf32, #tpu.memory_space<hbm>>
    %dma_start3A_50 = tpu.memref_squeeze %dma_start3A_49 : memref<1x8192xf32, #tpu.memory_space<hbm>> -> memref<8192xf32, #tpu.memory_space<hbm>>
    tpu.enqueue_dma source(%dma_start3A_50 : memref<8192xf32, #tpu.memory_space<hbm>>) target(%arg9 : memref<8192xf32, #tpu.memory_space<vmem>>) target_semaphore(%arg13 : memref<!tpu.dma_semaphore, #tpu.memory_space<semaphore_mem>>)
    %dma_wait3A_51 = arith.constant 0 : i32
    %dma_wait3A_52 = tpu.memref_slice %arg3[%add3A_4, %dma_wait3A_51] : memref<64x8192xf32, #tpu.memory_space<hbm>> -> memref<1x8192xf32, #tpu.memory_space<hbm>>
    %dma_wait3A_53 = tpu.memref_squeeze %dma_wait3A_52 : memref<1x8192xf32, #tpu.memory_space<hbm>> -> memref<8192xf32, #tpu.memory_space<hbm>>
    %dma_wait3A_54 = arith.constant 0 : i32
    %dma_wait3A_55 = tpu.memref_slice %arg3[%add3A_4, %dma_wait3A_54] : memref<64x8192xf32, #tpu.memory_space<hbm>> -> memref<1x8192xf32, #tpu.memory_space<hbm>>
    %dma_wait3A_56 = tpu.memref_squeeze %dma_wait3A_55 : memref<1x8192xf32, #tpu.memory_space<hbm>> -> memref<8192xf32, #tpu.memory_space<hbm>>
    tpu.wait_dma2 semaphore(%arg13 : memref<!tpu.dma_semaphore, #tpu.memory_space<semaphore_mem>>) src(%dma_wait3A_56 : memref<8192xf32, #tpu.memory_space<hbm>>) dst(%arg9 : memref<8192xf32, #tpu.memory_space<vmem>>)
    %dma_wait3A_57 = arith.constant 0 : i32
    %dma_wait3A_58 = tpu.memref_slice %arg4[%add3A_4, %dma_wait3A_57] : memref<64x100001xf32, #tpu.memory_space<hbm>> -> memref<1x100001xf32, #tpu.memory_space<hbm>>
    %dma_wait3A_59 = tpu.memref_squeeze %dma_wait3A_58 : memref<1x100001xf32, #tpu.memory_space<hbm>> -> memref<100001xf32, #tpu.memory_space<hbm>>
    %dma_wait3A_60 = arith.constant 0 : i32
    %dma_wait3A_61 = tpu.memref_slice %arg4[%add3A_4, %dma_wait3A_60] : memref<64x100001xf32, #tpu.memory_space<hbm>> -> memref<1x100001xf32, #tpu.memory_space<hbm>>
    %dma_wait3A_62 = tpu.memref_squeeze %dma_wait3A_61 : memref<1x100001xf32, #tpu.memory_space<hbm>> -> memref<100001xf32, #tpu.memory_space<hbm>>
    tpu.wait_dma2 semaphore(%arg11 : memref<!tpu.dma_semaphore, #tpu.memory_space<semaphore_mem>>) src(%dma_wait3A_62 : memref<100001xf32, #tpu.memory_space<hbm>>) dst(%arg7 : memref<100001xf32, #tpu.memory_space<vmem>>)
    "tpu.trace_stop"() : () -> ()
    "tpu.trace_start"() <{level = 10 : i32, message = "gather1"}> : () -> ()
    %scan3A_63 = arith.constant 0 : i32
    %scan3A_64 = arith.constant 0 : i32
    %scan3A_65 = arith.constant 256 : i32
    %scan3A_66 = arith.addi %scan3A_64, %scan3A_65 : i32
    %scan3A_67 = arith.constant 8 : i32
    %scan3A_68 = scf.for %scan3A_103 = %scan3A_64 to %scan3A_66 step %scan3A_67 iter_args(%scan3A_104 = %scan3A_63) -> (i32)  : i32 {
      %mul3A_105 = arith.constant 16 : i32
      %mul3A_106 = arith.muli %scan3A_103, %mul3A_105 : i32
      %get3A = arith.index_cast %mul3A_106 : i32 to index
      %get3A_107 = tpu.vector_load %arg6[%get3A] {strides = array<i32>} : memref<8192xi32, #tpu.memory_space<vmem>>, vector<16xi32>,
      %gather3A = tpu.vector_load_idx %arg7[%get3A_107] : memref<100001xf32, #tpu.memory_space<vmem>>[vector<16xi32>], vector<16xf32>,
      %mul3A_108 = arith.constant 16 : i32
      %mul3A_109 = arith.muli %scan3A_103, %mul3A_108 : i32
      %swap3A = arith.index_cast %mul3A_109 : i32 to index
      %swap3A_110 = tpu.vector_load %arg9[%swap3A] {strides = array<i32>} : memref<8192xf32, #tpu.memory_space<vmem>>, vector<16xf32>,
      tpu.vector_store %arg9[%swap3A], %gather3A {add = true, strides = array<i32>} : memref<8192xf32, #tpu.memory_space<vmem>>, vector<16xf32>,
      %scan3A_111 = arith.constant 0 : i32
      %scan3A_112 = arith.constant 1 : i32
      %scan3A_113 = arith.addi %scan3A_103, %scan3A_112 : i32
      %mul3A_114 = arith.constant 16 : i32
      %mul3A_115 = arith.muli %scan3A_113, %mul3A_114 : i32
      %get3A_116 = arith.index_cast %mul3A_115 : i32 to index
      %get3A_117 = tpu.vector_load %arg6[%get3A_116] {strides = array<i32>} : memref<8192xi32, #tpu.memory_space<vmem>>, vector<16xi32>,
      %gather3A_118 = tpu.vector_load_idx %arg7[%get3A_117] : memref<100001xf32, #tpu.memory_space<vmem>>[vector<16xi32>], vector<16xf32>,
      %mul3A_119 = arith.constant 16 : i32
      %mul3A_120 = arith.muli %scan3A_113, %mul3A_119 : i32
      %swap3A_121 = arith.index_cast %mul3A_120 : i32 to index
      %swap3A_122 = tpu.vector_load %arg9[%swap3A_121] {strides = array<i32>} : memref<8192xf32, #tpu.memory_space<vmem>>, vector<16xf32>,
      tpu.vector_store %arg9[%swap3A_121], %gather3A_118 {add = true, strides = array<i32>} : memref<8192xf32, #tpu.memory_space<vmem>>, vector<16xf32>,
      %scan3A_123 = arith.constant 0 : i32
      %scan3A_124 = arith.constant 2 : i32
      %scan3A_125 = arith.addi %scan3A_103, %scan3A_124 : i32
      %mul3A_126 = arith.constant 16 : i32
      %mul3A_127 = arith.muli %scan3A_125, %mul3A_126 : i32
      %get3A_128 = arith.index_cast %mul3A_127 : i32 to index
      %get3A_129 = tpu.vector_load %arg6[%get3A_128] {strides = array<i32>} : memref<8192xi32, #tpu.memory_space<vmem>>, vector<16xi32>,
      %gather3A_130 = tpu.vector_load_idx %arg7[%get3A_129] : memref<100001xf32, #tpu.memory_space<vmem>>[vector<16xi32>], vector<16xf32>,
      %mul3A_131 = arith.constant 16 : i32
      %mul3A_132 = arith.muli %scan3A_125, %mul3A_131 : i32
      %swap3A_133 = arith.index_cast %mul3A_132 : i32 to index
      %swap3A_134 = tpu.vector_load %arg9[%swap3A_133] {strides = array<i32>} : memref<8192xf32, #tpu.memory_space<vmem>>, vector<16xf32>,
      tpu.vector_store %arg9[%swap3A_133], %gather3A_130 {add = true, strides = array<i32>} : memref<8192xf32, #tpu.memory_space<vmem>>, vector<16xf32>,
      %scan3A_135 = arith.constant 0 : i32
      %scan3A_136 = arith.constant 3 : i32
      %scan3A_137 = arith.addi %scan3A_103, %scan3A_136 : i32
      %mul3A_138 = arith.constant 16 : i32
      %mul3A_139 = arith.muli %scan3A_137, %mul3A_138 : i32
      %get3A_140 = arith.index_cast %mul3A_139 : i32 to index
      %get3A_141 = tpu.vector_load %arg6[%get3A_140] {strides = array<i32>} : memref<8192xi32, #tpu.memory_space<vmem>>, vector<16xi32>,
      %gather3A_142 = tpu.vector_load_idx %arg7[%get3A_141] : memref<100001xf32, #tpu.memory_space<vmem>>[vector<16xi32>], vector<16xf32>,
      %mul3A_143 = arith.constant 16 : i32
      %mul3A_144 = arith.muli %scan3A_137, %mul3A_143 : i32
      %swap3A_145 = arith.index_cast %mul3A_144 : i32 to index
      %swap3A_146 = tpu.vector_load %arg9[%swap3A_145] {strides = array<i32>} : memref<8192xf32, #tpu.memory_space<vmem>>, vector<16xf32>,
      tpu.vector_store %arg9[%swap3A_145], %gather3A_142 {add = true, strides = array<i32>} : memref<8192xf32, #tpu.memory_space<vmem>>, vector<16xf32>,
      %scan3A_147 = arith.constant 0 : i32
      %scan3A_148 = arith.constant 4 : i32
      %scan3A_149 = arith.addi %scan3A_103, %scan3A_148 : i32
      %mul3A_150 = arith.constant 16 : i32
      %mul3A_151 = arith.muli %scan3A_149, %mul3A_150 : i32
      %get3A_152 = arith.index_cast %mul3A_151 : i32 to index
      %get3A_153 = tpu.vector_load %arg6[%get3A_152] {strides = array<i32>} : memref<8192xi32, #tpu.memory_space<vmem>>, vector<16xi32>,
      %gather3A_154 = tpu.vector_load_idx %arg7[%get3A_153] : memref<100001xf32, #tpu.memory_space<vmem>>[vector<16xi32>], vector<16xf32>,
      %mul3A_155 = arith.constant 16 : i32
      %mul3A_156 = arith.muli %scan3A_149, %mul3A_155 : i32
      %swap3A_157 = arith.index_cast %mul3A_156 : i32 to index
      %swap3A_158 = tpu.vector_load %arg9[%swap3A_157] {strides = array<i32>} : memref<8192xf32, #tpu.memory_space<vmem>>, vector<16xf32>,
      tpu.vector_store %arg9[%swap3A_157], %gather3A_154 {add = true, strides = array<i32>} : memref<8192xf32, #tpu.memory_space<vmem>>, vector<16xf32>,
      %scan3A_159 = arith.constant 0 : i32
      %scan3A_160 = arith.constant 5 : i32
      %scan3A_161 = arith.addi %scan3A_103, %scan3A_160 : i32
      %mul3A_162 = arith.constant 16 : i32
      %mul3A_163 = arith.muli %scan3A_161, %mul3A_162 : i32
      %get3A_164 = arith.index_cast %mul3A_163 : i32 to index
      %get3A_165 = tpu.vector_load %arg6[%get3A_164] {strides = array<i32>} : memref<8192xi32, #tpu.memory_space<vmem>>, vector<16xi32>,
      %gather3A_166 = tpu.vector_load_idx %arg7[%get3A_165] : memref<100001xf32, #tpu.memory_space<vmem>>[vector<16xi32>], vector<16xf32>,
      %mul3A_167 = arith.constant 16 : i32
      %mul3A_168 = arith.muli %scan3A_161, %mul3A_167 : i32
      %swap3A_169 = arith.index_cast %mul3A_168 : i32 to index
      %swap3A_170 = tpu.vector_load %arg9[%swap3A_169] {strides = array<i32>} : memref<8192xf32, #tpu.memory_space<vmem>>, vector<16xf32>,
      tpu.vector_store %arg9[%swap3A_169], %gather3A_166 {add = true, strides = array<i32>} : memref<8192xf32, #tpu.memory_space<vmem>>, vector<16xf32>,
      %scan3A_171 = arith.constant 0 : i32
      %scan3A_172 = arith.constant 6 : i32
      %scan3A_173 = arith.addi %scan3A_103, %scan3A_172 : i32
      %mul3A_174 = arith.constant 16 : i32
      %mul3A_175 = arith.muli %scan3A_173, %mul3A_174 : i32
      %get3A_176 = arith.index_cast %mul3A_175 : i32 to index
      %get3A_177 = tpu.vector_load %arg6[%get3A_176] {strides = array<i32>} : memref<8192xi32, #tpu.memory_space<vmem>>, vector<16xi32>,
      %gather3A_178 = tpu.vector_load_idx %arg7[%get3A_177] : memref<100001xf32, #tpu.memory_space<vmem>>[vector<16xi32>], vector<16xf32>,
      %mul3A_179 = arith.constant 16 : i32
      %mul3A_180 = arith.muli %scan3A_173, %mul3A_179 : i32
      %swap3A_181 = arith.index_cast %mul3A_180 : i32 to index
      %swap3A_182 = tpu.vector_load %arg9[%swap3A_181] {strides = array<i32>} : memref<8192xf32, #tpu.memory_space<vmem>>, vector<16xf32>,
      tpu.vector_store %arg9[%swap3A_181], %gather3A_178 {add = true, strides = array<i32>} : memref<8192xf32, #tpu.memory_space<vmem>>, vector<16xf32>,
      %scan3A_183 = arith.constant 0 : i32
      %scan3A_184 = arith.constant 7 : i32
      %scan3A_185 = arith.addi %scan3A_103, %scan3A_184 : i32
      %mul3A_186 = arith.constant 16 : i32
      %mul3A_187 = arith.muli %scan3A_185, %mul3A_186 : i32
      %get3A_188 = arith.index_cast %mul3A_187 : i32 to index
      %get3A_189 = tpu.vector_load %arg6[%get3A_188] {strides = array<i32>} : memref<8192xi32, #tpu.memory_space<vmem>>, vector<16xi32>,
      %gather3A_190 = tpu.vector_load_idx %arg7[%get3A_189] : memref<100001xf32, #tpu.memory_space<vmem>>[vector<16xi32>], vector<16xf32>,
      %mul3A_191 = arith.constant 16 : i32
      %mul3A_192 = arith.muli %scan3A_185, %mul3A_191 : i32
      %swap3A_193 = arith.index_cast %mul3A_192 : i32 to index
      %swap3A_194 = tpu.vector_load %arg9[%swap3A_193] {strides = array<i32>} : memref<8192xf32, #tpu.memory_space<vmem>>, vector<16xf32>,
      tpu.vector_store %arg9[%swap3A_193], %gather3A_190 {add = true, strides = array<i32>} : memref<8192xf32, #tpu.memory_space<vmem>>, vector<16xf32>,
      %scan3A_195 = arith.constant 0 : i32
      scf.yield %scan3A_195 : i32
    }
    %scan3A_69 = arith.constant 256 : i32
    %dma_start3A_70 = arith.constant 0 : i32
    %dma_start3A_71 = tpu.memref_slice %arg9[%dma_start3A_70] : memref<8192xf32, #tpu.memory_space<vmem>> -> memref<4096xf32, #tpu.memory_space<vmem>>
    %dma_start3A_72 = arith.constant 0 : i32
    %dma_start3A_73 = tpu.memref_slice %arg5[%add3A_4, %dma_start3A_72] : memref<64x8192xf32, #tpu.memory_space<hbm>> -> memref<1x4096xf32, #tpu.memory_space<hbm>>
    %dma_start3A_74 = tpu.memref_squeeze %dma_start3A_73 : memref<1x4096xf32, #tpu.memory_space<hbm>> -> memref<4096xf32, #tpu.memory_space<hbm>>
    %dma_start3A_75 = arith.constant 0 : i32
    %dma_start3A_76 = tpu.memref_slice %arg5[%add3A_4, %dma_start3A_75] : memref<64x8192xf32, #tpu.memory_space<hbm>> -> memref<1x4096xf32, #tpu.memory_space<hbm>>
    %dma_start3A_77 = tpu.memref_squeeze %dma_start3A_76 : memref<1x4096xf32, #tpu.memory_space<hbm>> -> memref<4096xf32, #tpu.memory_space<hbm>>
    %dma_start3A_78 = arith.constant 0 : i32
    %dma_start3A_79 = tpu.memref_slice %arg9[%dma_start3A_78] : memref<8192xf32, #tpu.memory_space<vmem>> -> memref<4096xf32, #tpu.memory_space<vmem>>
    tpu.enqueue_dma source(%dma_start3A_79 : memref<4096xf32, #tpu.memory_space<vmem>>) target(%dma_start3A_77 : memref<4096xf32, #tpu.memory_space<hbm>>) target_semaphore(%arg14 : memref<!tpu.dma_semaphore, #tpu.memory_space<semaphore_mem>>)
    %scan3A_80 = arith.constant 0 : i32
    %scan3A_81 = arith.constant 256 : i32
    %scan3A_82 = arith.constant 256 : i32
    %scan3A_83 = arith.addi %scan3A_81, %scan3A_82 : i32
    %scan3A_84 = arith.constant 8 : i32
    %scan3A_85 = scf.for %scan3A_103 = %scan3A_81 to %scan3A_83 step %scan3A_84 iter_args(%scan3A_104 = %scan3A_80) -> (i32)  : i32 {
      %mul3A_105 = arith.constant 16 : i32
      %mul3A_106 = arith.muli %scan3A_103, %mul3A_105 : i32
      %get3A = arith.index_cast %mul3A_106 : i32 to index
      %get3A_107 = tpu.vector_load %arg6[%get3A] {strides = array<i32>} : memref<8192xi32, #tpu.memory_space<vmem>>, vector<16xi32>,
      %gather3A = tpu.vector_load_idx %arg7[%get3A_107] : memref<100001xf32, #tpu.memory_space<vmem>>[vector<16xi32>], vector<16xf32>,
      %mul3A_108 = arith.constant 16 : i32
      %mul3A_109 = arith.muli %scan3A_103, %mul3A_108 : i32
      %swap3A = arith.index_cast %mul3A_109 : i32 to index
      %swap3A_110 = tpu.vector_load %arg9[%swap3A] {strides = array<i32>} : memref<8192xf32, #tpu.memory_space<vmem>>, vector<16xf32>,
      tpu.vector_store %arg9[%swap3A], %gather3A {add = true, strides = array<i32>} : memref<8192xf32, #tpu.memory_space<vmem>>, vector<16xf32>,
      %scan3A_111 = arith.constant 0 : i32
      %scan3A_112 = arith.constant 1 : i32
      %scan3A_113 = arith.addi %scan3A_103, %scan3A_112 : i32
      %mul3A_114 = arith.constant 16 : i32
      %mul3A_115 = arith.muli %scan3A_113, %mul3A_114 : i32
      %get3A_116 = arith.index_cast %mul3A_115 : i32 to index
      %get3A_117 = tpu.vector_load %arg6[%get3A_116] {strides = array<i32>} : memref<8192xi32, #tpu.memory_space<vmem>>, vector<16xi32>,
      %gather3A_118 = tpu.vector_load_idx %arg7[%get3A_117] : memref<100001xf32, #tpu.memory_space<vmem>>[vector<16xi32>], vector<16xf32>,
      %mul3A_119 = arith.constant 16 : i32
      %mul3A_120 = arith.muli %scan3A_113, %mul3A_119 : i32
      %swap3A_121 = arith.index_cast %mul3A_120 : i32 to index
      %swap3A_122 = tpu.vector_load %arg9[%swap3A_121] {strides = array<i32>} : memref<8192xf32, #tpu.memory_space<vmem>>, vector<16xf32>,
      tpu.vector_store %arg9[%swap3A_121], %gather3A_118 {add = true, strides = array<i32>} : memref<8192xf32, #tpu.memory_space<vmem>>, vector<16xf32>,
      %scan3A_123 = arith.constant 0 : i32
      %scan3A_124 = arith.constant 2 : i32
      %scan3A_125 = arith.addi %scan3A_103, %scan3A_124 : i32
      %mul3A_126 = arith.constant 16 : i32
      %mul3A_127 = arith.muli %scan3A_125, %mul3A_126 : i32
      %get3A_128 = arith.index_cast %mul3A_127 : i32 to index
      %get3A_129 = tpu.vector_load %arg6[%get3A_128] {strides = array<i32>} : memref<8192xi32, #tpu.memory_space<vmem>>, vector<16xi32>,
      %gather3A_130 = tpu.vector_load_idx %arg7[%get3A_129] : memref<100001xf32, #tpu.memory_space<vmem>>[vector<16xi32>], vector<16xf32>,
      %mul3A_131 = arith.constant 16 : i32
      %mul3A_132 = arith.muli %scan3A_125, %mul3A_131 : i32
      %swap3A_133 = arith.index_cast %mul3A_132 : i32 to index
      %swap3A_134 = tpu.vector_load %arg9[%swap3A_133] {strides = array<i32>} : memref<8192xf32, #tpu.memory_space<vmem>>, vector<16xf32>,
      tpu.vector_store %arg9[%swap3A_133], %gather3A_130 {add = true, strides = array<i32>} : memref<8192xf32, #tpu.memory_space<vmem>>, vector<16xf32>,
      %scan3A_135 = arith.constant 0 : i32
      %scan3A_136 = arith.constant 3 : i32
      %scan3A_137 = arith.addi %scan3A_103, %scan3A_136 : i32
      %mul3A_138 = arith.constant 16 : i32
      %mul3A_139 = arith.muli %scan3A_137, %mul3A_138 : i32
      %get3A_140 = arith.index_cast %mul3A_139 : i32 to index
      %get3A_141 = tpu.vector_load %arg6[%get3A_140] {strides = array<i32>} : memref<8192xi32, #tpu.memory_space<vmem>>, vector<16xi32>,
      %gather3A_142 = tpu.vector_load_idx %arg7[%get3A_141] : memref<100001xf32, #tpu.memory_space<vmem>>[vector<16xi32>], vector<16xf32>,
      %mul3A_143 = arith.constant 16 : i32
      %mul3A_144 = arith.muli %scan3A_137, %mul3A_143 : i32
      %swap3A_145 = arith.index_cast %mul3A_144 : i32 to index
      %swap3A_146 = tpu.vector_load %arg9[%swap3A_145] {strides = array<i32>} : memref<8192xf32, #tpu.memory_space<vmem>>, vector<16xf32>,
      tpu.vector_store %arg9[%swap3A_145], %gather3A_142 {add = true, strides = array<i32>} : memref<8192xf32, #tpu.memory_space<vmem>>, vector<16xf32>,
      %scan3A_147 = arith.constant 0 : i32
      %scan3A_148 = arith.constant 4 : i32
      %scan3A_149 = arith.addi %scan3A_103, %scan3A_148 : i32
      %mul3A_150 = arith.constant 16 : i32
      %mul3A_151 = arith.muli %scan3A_149, %mul3A_150 : i32
      %get3A_152 = arith.index_cast %mul3A_151 : i32 to index
      %get3A_153 = tpu.vector_load %arg6[%get3A_152] {strides = array<i32>} : memref<8192xi32, #tpu.memory_space<vmem>>, vector<16xi32>,
      %gather3A_154 = tpu.vector_load_idx %arg7[%get3A_153] : memref<100001xf32, #tpu.memory_space<vmem>>[vector<16xi32>], vector<16xf32>,
      %mul3A_155 = arith.constant 16 : i32
      %mul3A_156 = arith.muli %scan3A_149, %mul3A_155 : i32
      %swap3A_157 = arith.index_cast %mul3A_156 : i32 to index
      %swap3A_158 = tpu.vector_load %arg9[%swap3A_157] {strides = array<i32>} : memref<8192xf32, #tpu.memory_space<vmem>>, vector<16xf32>,
      tpu.vector_store %arg9[%swap3A_157], %gather3A_154 {add = true, strides = array<i32>} : memref<8192xf32, #tpu.memory_space<vmem>>, vector<16xf32>,
      %scan3A_159 = arith.constant 0 : i32
      %scan3A_160 = arith.constant 5 : i32
      %scan3A_161 = arith.addi %scan3A_103, %scan3A_160 : i32
      %mul3A_162 = arith.constant 16 : i32
      %mul3A_163 = arith.muli %scan3A_161, %mul3A_162 : i32
      %get3A_164 = arith.index_cast %mul3A_163 : i32 to index
      %get3A_165 = tpu.vector_load %arg6[%get3A_164] {strides = array<i32>} : memref<8192xi32, #tpu.memory_space<vmem>>, vector<16xi32>,
      %gather3A_166 = tpu.vector_load_idx %arg7[%get3A_165] : memref<100001xf32, #tpu.memory_space<vmem>>[vector<16xi32>], vector<16xf32>,
      %mul3A_167 = arith.constant 16 : i32
      %mul3A_168 = arith.muli %scan3A_161, %mul3A_167 : i32
      %swap3A_169 = arith.index_cast %mul3A_168 : i32 to index
      %swap3A_170 = tpu.vector_load %arg9[%swap3A_169] {strides = array<i32>} : memref<8192xf32, #tpu.memory_space<vmem>>, vector<16xf32>,
      tpu.vector_store %arg9[%swap3A_169], %gather3A_166 {add = true, strides = array<i32>} : memref<8192xf32, #tpu.memory_space<vmem>>, vector<16xf32>,
      %scan3A_171 = arith.constant 0 : i32
      %scan3A_172 = arith.constant 6 : i32
      %scan3A_173 = arith.addi %scan3A_103, %scan3A_172 : i32
      %mul3A_174 = arith.constant 16 : i32
      %mul3A_175 = arith.muli %scan3A_173, %mul3A_174 : i32
      %get3A_176 = arith.index_cast %mul3A_175 : i32 to index
      %get3A_177 = tpu.vector_load %arg6[%get3A_176] {strides = array<i32>} : memref<8192xi32, #tpu.memory_space<vmem>>, vector<16xi32>,
      %gather3A_178 = tpu.vector_load_idx %arg7[%get3A_177] : memref<100001xf32, #tpu.memory_space<vmem>>[vector<16xi32>], vector<16xf32>,
      %mul3A_179 = arith.constant 16 : i32
      %mul3A_180 = arith.muli %scan3A_173, %mul3A_179 : i32
      %swap3A_181 = arith.index_cast %mul3A_180 : i32 to index
      %swap3A_182 = tpu.vector_load %arg9[%swap3A_181] {strides = array<i32>} : memref<8192xf32, #tpu.memory_space<vmem>>, vector<16xf32>,
      tpu.vector_store %arg9[%swap3A_181], %gather3A_178 {add = true, strides = array<i32>} : memref<8192xf32, #tpu.memory_space<vmem>>, vector<16xf32>,
      %scan3A_183 = arith.constant 0 : i32
      %scan3A_184 = arith.constant 7 : i32
      %scan3A_185 = arith.addi %scan3A_103, %scan3A_184 : i32
      %mul3A_186 = arith.constant 16 : i32
      %mul3A_187 = arith.muli %scan3A_185, %mul3A_186 : i32
      %get3A_188 = arith.index_cast %mul3A_187 : i32 to index
      %get3A_189 = tpu.vector_load %arg6[%get3A_188] {strides = array<i32>} : memref<8192xi32, #tpu.memory_space<vmem>>, vector<16xi32>,
      %gather3A_190 = tpu.vector_load_idx %arg7[%get3A_189] : memref<100001xf32, #tpu.memory_space<vmem>>[vector<16xi32>], vector<16xf32>,
      %mul3A_191 = arith.constant 16 : i32
      %mul3A_192 = arith.muli %scan3A_185, %mul3A_191 : i32
      %swap3A_193 = arith.index_cast %mul3A_192 : i32 to index
      %swap3A_194 = tpu.vector_load %arg9[%swap3A_193] {strides = array<i32>} : memref<8192xf32, #tpu.memory_space<vmem>>, vector<16xf32>,
      tpu.vector_store %arg9[%swap3A_193], %gather3A_190 {add = true, strides = array<i32>} : memref<8192xf32, #tpu.memory_space<vmem>>, vector<16xf32>,
      %scan3A_195 = arith.constant 0 : i32
      scf.yield %scan3A_195 : i32
    }
    %scan3A_86 = arith.constant 256 : i32
    "tpu.trace_stop"() : () -> ()
    "tpu.trace_start"() <{level = 10 : i32, message = "writeback"}> : () -> ()
    %dma_wait3A_87 = arith.constant 0 : i32
    %dma_wait3A_88 = tpu.memref_slice %arg5[%mul3A_2, %dma_wait3A_87] : memref<64x8192xf32, #tpu.memory_space<hbm>> -> memref<1x8192xf32, #tpu.memory_space<hbm>>
    %dma_wait3A_89 = tpu.memref_squeeze %dma_wait3A_88 : memref<1x8192xf32, #tpu.memory_space<hbm>> -> memref<8192xf32, #tpu.memory_space<hbm>>
    %dma_wait3A_90 = arith.constant 0 : i32
    %dma_wait3A_91 = tpu.memref_slice %arg5[%mul3A_2, %dma_wait3A_90] : memref<64x8192xf32, #tpu.memory_space<hbm>> -> memref<1x8192xf32, #tpu.memory_space<hbm>>
    %dma_wait3A_92 = tpu.memref_squeeze %dma_wait3A_91 : memref<1x8192xf32, #tpu.memory_space<hbm>> -> memref<8192xf32, #tpu.memory_space<hbm>>
    tpu.wait_dma2 semaphore(%arg14 : memref<!tpu.dma_semaphore, #tpu.memory_space<semaphore_mem>>) src(%arg8 : memref<8192xf32, #tpu.memory_space<vmem>>) dst(%dma_wait3A_92 : memref<8192xf32, #tpu.memory_space<hbm>>)
    %dma_wait3A_93 = arith.constant 0 : i32
    %dma_wait3A_94 = tpu.memref_slice %arg9[%dma_wait3A_93] : memref<8192xf32, #tpu.memory_space<vmem>> -> memref<4096xf32, #tpu.memory_space<vmem>>
    %dma_wait3A_95 = arith.constant 0 : i32
    %dma_wait3A_96 = tpu.memref_slice %arg5[%add3A_4, %dma_wait3A_95] : memref<64x8192xf32, #tpu.memory_space<hbm>> -> memref<1x4096xf32, #tpu.memory_space<hbm>>
    %dma_wait3A_97 = tpu.memref_squeeze %dma_wait3A_96 : memref<1x4096xf32, #tpu.memory_space<hbm>> -> memref<4096xf32, #tpu.memory_space<hbm>>
    %dma_wait3A_98 = arith.constant 0 : i32
    %dma_wait3A_99 = tpu.memref_slice %arg5[%add3A_4, %dma_wait3A_98] : memref<64x8192xf32, #tpu.memory_space<hbm>> -> memref<1x4096xf32, #tpu.memory_space<hbm>>
    %dma_wait3A_100 = tpu.memref_squeeze %dma_wait3A_99 : memref<1x4096xf32, #tpu.memory_space<hbm>> -> memref<4096xf32, #tpu.memory_space<hbm>>
    %dma_wait3A_101 = arith.constant 0 : i32
    %dma_wait3A_102 = tpu.memref_slice %arg9[%dma_wait3A_101] : memref<8192xf32, #tpu.memory_space<vmem>> -> memref<4096xf32, #tpu.memory_space<vmem>>
    tpu.wait_dma2 semaphore(%arg14 : memref<!tpu.dma_semaphore, #tpu.memory_space<semaphore_mem>>) src(%dma_wait3A_102 : memref<4096xf32, #tpu.memory_space<vmem>>) dst(%dma_wait3A_100 : memref<4096xf32, #tpu.memory_space<hbm>>)
    "tpu.region"() ({
      %run_scoped3A = tpu.sem_alloc : memref<!tpu.dma_semaphore, #tpu.memory_space<semaphore_mem>>
      %dma_start3A_103 = arith.constant 4096 : i32
      %dma_start3A_104 = tpu.memref_slice %arg9[%dma_start3A_103] : memref<8192xf32, #tpu.memory_space<vmem>> -> memref<4096xf32, #tpu.memory_space<vmem>>
      %dma_start3A_105 = arith.constant 4096 : i32
      %dma_start3A_106 = tpu.memref_slice %arg5[%add3A_4, %dma_start3A_105] : memref<64x8192xf32, #tpu.memory_space<hbm>> -> memref<1x4096xf32, #tpu.memory_space<hbm>>
      %dma_start3A_107 = tpu.memref_squeeze %dma_start3A_106 : memref<1x4096xf32, #tpu.memory_space<hbm>> -> memref<4096xf32, #tpu.memory_space<hbm>>
      %dma_start3A_108 = arith.constant 4096 : i32
      %dma_start3A_109 = tpu.memref_slice %arg5[%add3A_4, %dma_start3A_108] : memref<64x8192xf32, #tpu.memory_space<hbm>> -> memref<1x4096xf32, #tpu.memory_space<hbm>>
      %dma_start3A_110 = tpu.memref_squeeze %dma_start3A_109 : memref<1x4096xf32, #tpu.memory_space<hbm>> -> memref<4096xf32, #tpu.memory_space<hbm>>
      %dma_start3A_111 = arith.constant 4096 : i32
      %dma_start3A_112 = tpu.memref_slice %arg9[%dma_start3A_111] : memref<8192xf32, #tpu.memory_space<vmem>> -> memref<4096xf32, #tpu.memory_space<vmem>>
      tpu.enqueue_dma source(%dma_start3A_112 : memref<4096xf32, #tpu.memory_space<vmem>>) target(%dma_start3A_110 : memref<4096xf32, #tpu.memory_space<hbm>>) target_semaphore(%run_scoped3A : memref<!tpu.dma_semaphore, #tpu.memory_space<semaphore_mem>>)
      %dma_wait3A_113 = arith.constant 4096 : i32
      %dma_wait3A_114 = tpu.memref_slice %arg9[%dma_wait3A_113] : memref<8192xf32, #tpu.memory_space<vmem>> -> memref<4096xf32, #tpu.memory_space<vmem>>
      %dma_wait3A_115 = arith.constant 4096 : i32
      %dma_wait3A_116 = tpu.memref_slice %arg5[%add3A_4, %dma_wait3A_115] : memref<64x8192xf32, #tpu.memory_space<hbm>> -> memref<1x4096xf32, #tpu.memory_space<hbm>>
      %dma_wait3A_117 = tpu.memref_squeeze %dma_wait3A_116 : memref<1x4096xf32, #tpu.memory_space<hbm>> -> memref<4096xf32, #tpu.memory_space<hbm>>
      %dma_wait3A_118 = arith.constant 4096 : i32
      %dma_wait3A_119 = tpu.memref_slice %arg5[%add3A_4, %dma_wait3A_118] : memref<64x8192xf32, #tpu.memory_space<hbm>> -> memref<1x4096xf32, #tpu.memory_space<hbm>>
      %dma_wait3A_120 = tpu.memref_squeeze %dma_wait3A_119 : memref<1x4096xf32, #tpu.memory_space<hbm>> -> memref<4096xf32, #tpu.memory_space<hbm>>
      %dma_wait3A_121 = arith.constant 4096 : i32
      %dma_wait3A_122 = tpu.memref_slice %arg9[%dma_wait3A_121] : memref<8192xf32, #tpu.memory_space<vmem>> -> memref<4096xf32, #tpu.memory_space<vmem>>
      tpu.wait_dma2 semaphore(%run_scoped3A : memref<!tpu.dma_semaphore, #tpu.memory_space<semaphore_mem>>) src(%dma_wait3A_122 : memref<4096xf32, #tpu.memory_space<vmem>>) dst(%dma_wait3A_120 : memref<4096xf32, #tpu.memory_space<hbm>>)
      tpu.yield
    }) : () -> ()
    "tpu.trace_stop"() : () -> ()
    return
  }
}

</mosaic_0001>

<sc_bundles>
// kernel: kernel.3.cloned.1.call-start
scs
__scs_entry_jumppad:
0x0: {  	(pc) =	sbr.rel $0x88, $3  }
0x1: {  	(tag) =	ssettag $0x0;
	lr =	simm.s32 $0x1  }
0x2: {  	[smem:$0x3F9F] =	sst lr;
	_ =	strace $0xD0000000  }
0x3: {  	_ = 	snop  }
0x4: {  	_ = 	snop  }
0x5: {  	_ = 	snop  }
0x6: {  	_ = 	snop  }
0x7: {  	_ = 	snop  }
__scs_overlays_trampoline_lowered:
0x8: {  	[smem:$0x3FAE] =	sst s0  }
0x9: {  	[smem:$0x3FAF] =	sst s1  }
0xa: {  	[smem:$0x3FB0] =	sst s2  }
0xb: {  	[smem:$0x3FB1] =	sst s3  }
0xc: {  	[smem:$0x3FB2] =	sst s4  }
0xd: {  	[smem:$0x3FB3] =	sst s5  }
0xe: {  	[smem:$0x3FB4] =	sst s6  }
0xf: {  	[smem:$0x3FB5] =	sst s7  }
0x10: {  	[smem:$0x3FB6] =	sst s8  }
0x11: {  	[smem:$0x3FB7] =	sst s9;
	s0 =	simm.s32 @!p0 $0x0  }
0x12: {  	s1 =	sld [smem:$0x3F9D];
	s0 =	simm.s32 @p0 $0x1  }
0x13: {  	[smem:$0x3FB8] =	sst s0;
	s0 =	simm.s32 @!p1 $0x0  }
0x14: {  	s2 =	sld [smem:$0x3F9C];
	s0 =	simm.s32 @p1 $0x1  }
0x15: {  	[smem:$0x3FB9] =	sst s0;
	s0 =	simm.s32 @!p2 $0x0  }
0x16: {  	s3 =	sld [smem:$0x3FDB];
	s0 =	simm.s32 @p2 $0x1  }
0x17: {  	s4 =	simm.s32 $0x1BF5;
	[smem:$0x3FBB] =	sst s0  }
0x18: {  	s0 =	sld [smem:$0x3F9E];
	_ =	swait.ge [sflag:s4], $0x0  }
0x19: {  	s7 =	sld [smem:$0x3F9F]  }
0x1a: {  	s8 =	sadd.s32 $0xFFFFE003, lr  }
0x1b: {  	s9 =	sadd.s32 $0xFFFFFEF7, lr;
	s5 =	simm.s32 $0xFFFFFFFF;
	p2 =	slt.u32 s8, $0xFFFFF086  }
0x1c: {  	p1 =	slt.u32 s9, $0xF7A;
	s5 =	simm.s32 @!p2 $0x0  }
0x1d: {  	s5 =	simm.s32 @p1 $0x1;
	p0 =	seq.s32 s7, s2  }
0x1e: {  	s7 =	smul.u32 @!p0 $0xF7A, s2;
	p2 =	seq.s32 @!p0 s5, $0x0  }
0x1f: {  	s9 =	smul.u32 $0xF7A, s1;
	s8 =	simm.s32 @!p0 $0x1BF5;
	p2 =	por !p2, p0  }
0x20: {  	[sflag:s8] =	ssyncset.s32 @!p0 $0xFFFFF086;
	s6 =	sadd.s32 @!p0 s3, s7;
	s7 =	simm.s32 @!p0 $0x108  }
0x21: {  	s3 =	sadd.s32 s3, s9;
	s6 =	sadd.s32 @!p0 $0x88, s6;
	s7 =	simm.s32 @p2 $0x1082  }
0x22: {  	[simem:s7], [sflag:s8] =	dma.local @!p0 [hbm:s6], $0xF7A  }
0x23: {  	s9 =	sor.u32 $0xD0000000, s2;
	s6 =	simm.s32 $0x108;
	_ =	swait.ge @!p0 [sflag:s8], $0x0  }
0x24: {  	s3 =	sadd.s32 $0x88, s3;
	s6 =	simm.s32 @!p1 $0x1082;
	[sflag:s4] =	ssyncset.s32 $0xFFFFF086  }
0x25: {  	[simem:s6], [sflag:s4] =	dma.local [hbm:s3], $0xF7A  }
0x26: {  	[smem:$0x3F9F] =	sst s1;
	(tag) =	ssettag s2;
	_ =	strace s9  }
0x27: {  	s1 =	sld [smem:$0x3FAF]  }
0x28: {  	s2 =	sld [smem:$0x3FB0]  }
0x29: {  	s4 =	sld [smem:$0x3FB2]  }
0x2a: {  	p0 =	seq.s32 s5, $0x0;
	s5 =	sld [smem:$0x3FB3]  }
0x2b: {  	s6 =	sld [smem:$0x3FB4]  }
0x2c: {  	s7 =	sld [smem:$0x3FB5]  }
0x2d: {  	s3 =	simm.s32 $0x108;
	s8 =	sld [smem:$0x3FB6]  }
0x2e: {  	s3 =	simm.s32 @!p0 $0x1082;
	s9 =	sld [smem:$0x3FB7]  }
0x2f: {  	lr =	sadd.s32 s0, s3;
	s0 =	sld [smem:$0x3FAE]  }
0x30: {  	s3 =	sld [smem:$0x3FB1]  }
0x31: {  	[smem:$0x3FBA] =	sst s10  }
0x32: {  	s10 =	sld [smem:$0x3FB8];
	_ =	sdelay $0x3  }
0x33: {  	p0 =	seq.s32 s10, $0x1;
	s10 =	sld [smem:$0x3FBA];
	_ =	sdelay $0x3  }
0x34: {  	[smem:$0x3FBA] =	sst s10  }
0x35: {  	s10 =	sld [smem:$0x3FB9];
	_ =	sdelay $0x3  }
0x36: {  	p1 =	seq.s32 s10, $0x1;
	s10 =	sld [smem:$0x3FBA];
	_ =	sdelay $0x3  }
0x37: {  	[smem:$0x3FBA] =	sst s10  }
0x38: {  	s10 =	sld [smem:$0x3FBB]  }
0x39: {  	_ = 	snop;
	(pc) =	sbr.ind lr, $3  }
0x3a: {  	_ = 	snop  }
0x3b: {  	_ = 	snop  }
0x3c: {  	p2 =	seq.s32 s10, $0x1;
	s10 =	sld [smem:$0x3FBA]  }
0x3d: {  	_ =	shalt  }
0x3e: {  	_ =	shalt  }
0x3f: {  	_ =	shalt  }
0x40: {  	_ =	shalt  }
0x41: {  	_ =	shalt  }
0x42: {  	_ =	shalt  }
0x43: {  	_ =	shalt  }
0x44: {  	_ =	shalt  }
0x45: {  	_ =	shalt  }
0x46: {  	_ =	shalt  }
0x47: {  	_ =	shalt  }
0x48: {  	_ =	shalt  }
0x49: {  	_ =	shalt  }
0x4a: {  	_ =	shalt  }
0x4b: {  	_ =	shalt  }
0x4c: {  	_ =	shalt  }
0x4d: {  	_ =	shalt  }
0x4e: {  	_ =	shalt  }
0x4f: {  	_ =	shalt  }
0x50: {  	_ =	shalt  }
0x51: {  	_ =	shalt  }
0x52: {  	_ =	shalt  }
0x53: {  	_ =	shalt  }
0x54: {  	_ =	shalt  }
0x55: {  	_ =	shalt  }
0x56: {  	_ =	shalt  }
0x57: {  	_ =	shalt  }
0x58: {  	_ =	shalt  }
0x59: {  	_ =	shalt  }
0x5a: {  	_ =	shalt  }
0x5b: {  	_ =	shalt  }
0x5c: {  	_ =	shalt  }
0x5d: {  	_ =	shalt  }
0x5e: {  	_ =	shalt  }
0x5f: {  	_ =	shalt  }
0x60: {  	_ =	shalt  }
0x61: {  	_ =	shalt  }
0x62: {  	_ =	shalt  }
0x63: {  	_ =	shalt  }
0x64: {  	_ =	shalt  }
0x65: {  	_ =	shalt  }
0x66: {  	_ =	shalt  }
0x67: {  	_ =	shalt  }
0x68: {  	_ =	shalt  }
0x69: {  	_ =	shalt  }
0x6a: {  	_ =	shalt  }
0x6b: {  	_ =	shalt  }
0x6c: {  	_ =	shalt  }
0x6d: {  	_ =	shalt  }
0x6e: {  	_ =	shalt  }
0x6f: {  	_ =	shalt  }
0x70: {  	_ =	shalt  }
0x71: {  	_ =	shalt  }
0x72: {  	_ =	shalt  }
0x73: {  	_ =	shalt  }
0x74: {  	_ =	shalt  }
0x75: {  	_ =	shalt  }
0x76: {  	_ =	shalt  }
0x77: {  	_ =	shalt  }
0x78: {  	_ =	shalt  }
0x79: {  	_ =	shalt  }
0x7a: {  	_ =	shalt  }
0x7b: {  	_ =	shalt  }
0x7c: {  	_ =	shalt  }
0x7d: {  	_ =	shalt  }
0x7e: {  	_ =	shalt  }
0x7f: {  	_ =	shalt  }
0x80: {  	_ =	shalt  }
0x81: {  	_ =	shalt  }
0x82: {  	_ =	shalt  }
0x83: {  	_ =	shalt  }
0x84: {  	_ =	shalt  }
0x85: {  	_ =	shalt  }
0x86: {  	_ =	shalt  }
0x87: {  	_ =	shalt  }
.Lfunc_end0:
.L_simem_size_0:
called_computation_lowered:
.L_overlay_start_0:
0x88: {  	s2 =	sld [smem:$0x3FD9]  }
0x89: {  	s3 =	sld [smem:$0x3FFE];
	_ =	sdelay $0x1  }
0x8a: {  	s1 =	srdreg.scid  }
0x8b: {  	s0 =	sand.u32 $0x1, s1  }
0x8c: {  	s17 =	sshll.u32 s0, $0xA;
	s2 =	sadd.s32 s3, s2  }
0x8d: {  	s2 =	sadd.s32 s2, s17  }
0x8e: {  	[smem:$0x3FC6] =	sst s2  }
0x8f: {  	_ = 	snop  }
0x90: {  	s2 =	sld [smem:$0x3FC9]  }
0x91: {  	s18 =	sld [smem:$0x3FC8]  }
0x92: {  	s4 =	sld [smem:$0x3FD0];
	(tm) =	ssettm $0x1  }
0x93: {  	s5 =	sld [smem:$0x3FFB];
	_ =	sdelay $0x3  }
0x94: {  	_ =	strace s5  }
0x95: {  	s5 =	sld [smem:$0x3FFC];
	_ =	sdelay $0x3  }
0x96: {  	_ =	strace s5  }
0x97: {  	s5 =	sld [smem:$0x3FFD];
	_ =	sdelay $0x3  }
0x98: {  	_ =	strace s5  }
0x99: {  	_ =	strace $0x8FFFFFFF  }
0x9a: {  	s19 =	sld [smem:$0x3FDB];
	_ =	sdelay $0x1  }
0x9b: {  	s6 =	simm.s32 $_scs_section_size  }
0x9c: {  	s7 =	simm.s32 $_size__tile_overlayer_lowered;
	s8 =	simm.s32 $_tile_overlayer_lowered  }
0x9d: {  	s22 =	simm.s32 $0x1BFF;
	s21 =	sshll.u32 s8, $0x1;
	s5 =	sadd.s32 s6, s19  }
0x9e: {  	s9 =	simm.s32 $0x0;
	s20 =	sshll.u32 s7, $0x1;
	s7 =	sadd.s32 s21, s5  }
0x9f: {  	[timem:s9], [sflag:s22] =	dma.local [hbm:s7], s20  }
0xa0: {  	_ =	swait.ge [sflag:s22], s20  }
0xa1: {  	s6 =	ssub.s32 $0x0, s20;
	[sflag:s22] =	ssyncset.done $0x0  }
0xa2: {  	[sflag:s22] =	ssyncadd.s32 s6;
	_ =	sdelay $0x1  }
0xa3: {  	s23 =	simm.s32 $0x1B8B  }
0xa4: {  	_ =	swait.ge [sflag:s23], $0x1  }
0xa5: {  	[sflag:s23] =	ssyncset.done $0x0  }
0xa6: {  	s25 =	simm.s32 $0x1B8E;
	s24 =	sld [smem:$0x3FFE];
	[sflag:s23] =	ssyncadd.s32 $0xFFFFFFFF  }
0xa7: {  	s26 =	simm.s32 $execute0_lowered;
	[smem:$0x3FD2] =	sst s25  }
0xa8: {  	s7 =	sshll.u32 s26, $0x1;
	_ =	strace $0x80000046;
	[dreg:$0x1] =	wrdreg $0xFFFFFFFF  }
0xa9: {  	s28 =	simm.s32 $_size_execute0_lowered;
	s5 =	sadd.s32 s5, s7;
	[dreg:$0x0] =	wrdreg $0x0  }
0xaa: {  	s7 =	sshll.u32 s28, $0x1;
	[dreg:$0x2] =	wrdreg s5  }
0xab: {  	[dreg:$0x3] =	wrdreg s7  }
0xac: {  	[dreg:$0x4] =	wrdreg $0xC0  }
0xad: {  	_ =	task [dreg:s9], $0x5FFFF  }
0xae: {  	[dreg:$0x1] =	wrdreg $0xFFFFFFFF  }
0xaf: {  	[dreg:$0x0] =	wrdreg $0x60  }
0xb0: {  	[dreg:$0x2] =	wrdreg s2  }
0xb1: {  	[dreg:$0x3] =	wrdreg s24  }
0xb2: {  	[dreg:$0x4] =	wrdreg s18  }
0xb3: {  	[dreg:$0x5] =	wrdreg s4  }
0xb4: {  	[dreg:$0x6] =	wrdreg $0x9  }
0xb5: {  	_ =	task.clear_ibuf [dreg:s9], $0x7FFFF;
	_ =	strace $0x90000046  }
0xb6: {  	s29 =	simm.s32 $0x9;
	_ =	strace $0x8000004D  }
0xb7: {  	_ =	swait.ge [sflag:s29], $0x1  }
0xb8: {  	[sflag:s29] =	ssyncadd.s32 $0xFFFFFFFF  }
0xb9: {  	_ =	strace $0x9000004D  }
0xba: {  	_ =	sfence  }
0xbb: {  	s30 =	sld [smem:$0x0];
	_ =	sdelay $0x2  }
0xbc: {  	s31 =	sshll.u32 s1, $0xD;
	s1 =	sshrl.u32 s1, $0x2  }
0xbd: {  	s3 =	sand.u32 $0x4000, s31;
	s1 =	sadd.s32 s1, s30  }
0xbe: {  	s0 =	sor.u32 s3, s0;
	s1 =	sshll.u32 s1, $0x11  }
0xbf: {  	s0 =	sor.u32 s1, s0  }
0xc0: {  	s0 =	sadd.s32 $0x8F2B, s0  }
0xc1: {  	[sflag:s0] =	ssyncadd.remote.s32 $0x1  }
0xc2: {  	_ =	sfence.sel $0xFFFF  }
0xc3: {  	[dreg:$0x0] =	wrdreg $0xFFFFFFFF;
	(pc) =	sbr.abs _section_cstart, $3  }
0xc4: {  	[dreg:$0x1] =	wrdreg $0xFFFFFFFF  }
0xc5: {  	_ =	task.clear_ibuf [dreg:s9], $0x2FFFF;
	_ =	strace $0x9FFFFFFF  }
0xc6: {  	(tm) =	ssettm $0x7FFFFFFF  }
0xc7: {  	_ =	shalt  }
tec
execute0_lowered:
.L_overlay_start_1:
0x0: {  	(tag) =	ssettag $0x1  }
0x1: {  	s1 =	rddreg [dreg:$0x0]  }
0x2: {  	s4 =	rddreg [dreg:$0x1]  }
0x3: {  	s7 =	rddreg [dreg:$0x2]  }
0x4: {  	s9 =	rddreg [dreg:$0x3]  }
0x5: {  	s0 =	rddreg [dreg:$0x4];
	s3 =	simm.s32 $0x0;
	s5 =	srdreg.scid  }
0x6: {  	s2 =	stileid.u32;
	s14 =	simm.s32 $0x2000;
	s15 =	simm.s32 $0x1A700  }
0x7: {  	s16 =	simm.s32 $0x1;
	s17 =	simm.s32 $0x3;
	s18 =	simm.s32 $0x2  }
0x8: {  	s19 =	simm.s32 $0x1C700;
	s20 =	simm.s32 $0x4;
	s21 =	simm.s32 $0x5  }
0x9: {  	s22 =	simm.s32 $0x1D700;
	[smem:$0x7FF] =	sst s3;
	s5 =	sand.u32 $0x1, s5  }
0xa: {  	s6 =	sshll.u32 s2, $0x9;
	s8 =	sshrl.u32 s2, $0x1;
	s12 =	sadd.s32 $0x400, s4  }
0xb: {  	s10 =	sshll.u32 s5, $0x8;
	s11 =	smul.u32 $0xC3800, s8;
	s6 =	sand.u32 $0x200, s6  }
0xc: {  	_ =	strace $0x80000047;
	s23 =	ssub.s32 $0x2, s5;
	s24 =	sor.u32 s10, s6  }
0xd: {  	s8 =	sshll.u32 s8, $0x10;
	s25 =	sshrl.u32 s23, $0x1;
	s10 =	sor.u32 s11, s24  }
0xe: {  	s13 =	ssub.s32 s23, s25;
	s28 =	sor.u32 s8, s24;
	s29 =	sor.u32 $0x80, s24  }
0xf: {  	s23 =	simm.s32 $0x6;
	s24 =	simm.s32 $0x0;
	s26 =	sshrl.u32 s10, $0x3  }
0x10: {  	s6 =	sshrl.u32 s28, $0x3;
	s11 =	sor.u32 s11, s29;
	s8 =	sor.u32 s8, s29  }
0x11: {  	s4 =	sadd.s32 s7, s26;
	s5 =	sadd.s32 s12, s6;
	s6 =	sadd.s32 s9, s6  }
0x12: {  	s30 =	sshrl.u32 s11, $0x3;
	s31 =	sshrl.u32 s8, $0x3;
	s11 =	smax.u32 s13, $0x1  }
0x13: {  	s13 =	simm.s32 $0x400;
	s7 =	sadd.s32 s7, s30;
	s9 =	sadd.s32 s9, s31  }
0x14: {  	s8 =	sadd.s32 s12, s31;
	s12 =	simm.s32 $0x80;
	s10 =	sadd.s32 $0x1000, s9  }
.LBB2_1:
0x15: {  	_ =	strace $0x80000048  }
0x16: {  	[tilespmem:s3], [sflag:$0x1] =	stream.linear.gather [hbm4b:s1+s3], $0x2000, $0x200038;
	[tilespmem:$0x1E700] =	vst v63  }
0x17: {  	_ = 	snop  }
0x18: {  	[tilespmem:s14], [sflag:$0x2] =	stream.strided.gather [hbm4b:s4+s12], $0x18700, s13, s12, $0x200038;
	[tilespmem:$0x1E700] =	vst v63  }
0x19: {  	_ = 	snop  }
0x1a: {  	[tilespmem:s15], [sflag:$0x3] =	stream.strided.gather [hbm4b:s5+s12], $0x2000, s13, s12, $0x200038;
	[tilespmem:$0x1E700] =	vst v63  }
0x1b: {  	_ =	swait.ge [sflag:s16], $0x2000  }
0x1c: {  	[sflag:s16] =	ssyncset.done $0x0  }
0x1d: {  	[sflag:s16] =	ssyncadd.s32 $0xFFFFE000  }
0x1e: {  	_ =	swait.ge [sflag:s17], $0x2000  }
0x1f: {  	[sflag:s17] =	ssyncset.done $0x0  }
0x20: {  	[sflag:s17] =	ssyncadd.s32 $0xFFFFE000  }
0x21: {  	_ =	swait.ge [sflag:s18], $0x18700  }
0x22: {  	[sflag:s18] =	ssyncset.done $0x0  }
0x23: {  	[sflag:s18] =	ssyncadd.s32 $0xFFFE7900  }
0x24: {  	_ =	strace $0x90000048  }
0x25: {  	s25 =	simm.s32 $0x0;
	_ =	strace $0x80000049  }
0x26: {  	v0 =	vld [tilespmem:s25+$0x0];
	_ =	sdelay $0x5  }
0x27: {  	v1 =	vld [tilespmem:s25+$0x10];
	_ =	sdelay $0x1  }
0x28: {  	v0 =	vld.idx.msk [tilespmem:v0+s14+$0x0], $0xffff;
	_ =	sdelay $0x3  }
0x29: {  	v2 =	vld [tilespmem:s25+$0x20]  }
0x2a: {  	[tilespmem:s25+$0x1A700] =	vst.add.f32.msk $0xffff, v0  }
0x2b: {  	v0 =	vld.idx.msk [tilespmem:v1+s14+$0x0], $0xffff;
	_ =	sdelay $0x3  }
0x2c: {  	v1 =	vld [tilespmem:s25+$0x30]  }
0x2d: {  	[tilespmem:s25+$0x1A710] =	vst.add.f32.msk $0xffff, v0  }
0x2e: {  	v0 =	vld.idx.msk [tilespmem:v2+s14+$0x0], $0xffff;
	_ =	sdelay $0x3  }
0x2f: {  	v2 =	vld [tilespmem:s25+$0x40]  }
0x30: {  	[tilespmem:s25+$0x1A720] =	vst.add.f32.msk $0xffff, v0  }
0x31: {  	v0 =	vld.idx.msk [tilespmem:v1+s14+$0x0], $0xffff;
	_ =	sdelay $0x3  }
0x32: {  	v1 =	vld [tilespmem:s25+$0x50]  }
0x33: {  	[tilespmem:s25+$0x1A730] =	vst.add.f32.msk $0xffff, v0  }
0x34: {  	v0 =	vld.idx.msk [tilespmem:v2+s14+$0x0], $0xffff;
	_ =	sdelay $0x3  }
0x35: {  	v2 =	vld [tilespmem:s25+$0x60]  }
0x36: {  	[tilespmem:s25+$0x1A740] =	vst.add.f32.msk $0xffff, v0  }
0x37: {  	v1 =	vld.idx.msk [tilespmem:v1+s14+$0x0], $0xffff;
	_ =	sdelay $0x3  }
0x38: {  	v0 =	vld [tilespmem:s25+$0x70]  }
0x39: {  	[tilespmem:s25+$0x1A750] =	vst.add.f32.msk $0xffff, v1  }
0x3a: {  	v1 =	vld.idx.msk [tilespmem:v2+s14+$0x0], $0xffff;
	_ =	sdelay $0x1  }
0x3b: {  	s26 =	simm.s32 $0x0;
	s28 =	simm.s32 $0x200  }
.LBB2_2:
0x3c: {  	s29 =	sshra.s32 s28, $0x2  }
0x3d: {  	s26 =	sadd.s32 $0x8, s26;
	v2 =	vld [tilespmem:s29+$0x0]  }
0x3e: {  	p0 =	slt.u32 s26, $0x1F8;
	[tilespmem:s25+$0x1A760] =	vst.add.f32.msk $0xffff, v1  }
0x3f: {  	v0 =	vld.idx.msk [tilespmem:v0+s14+$0x0], $0xffff;
	_ =	sdelay $0x4  }
0x40: {  	v1 =	vld [tilespmem:s29+$0x10]  }
0x41: {  	[tilespmem:s25+$0x1A770] =	vst.add.f32.msk $0xffff, v0;
	s25 =	smov.u32 s29  }
0x42: {  	v0 =	vld.idx.msk [tilespmem:v2+s14+$0x0], $0xffff;
	_ =	sdelay $0x4  }
0x43: {  	v2 =	vld [tilespmem:s25+$0x20]  }
0x44: {  	[tilespmem:s25+$0x1A700] =	vst.add.f32.msk $0xffff, v0  }
0x45: {  	v0 =	vld.idx.msk [tilespmem:v1+s14+$0x0], $0xffff;
	_ =	sdelay $0x4  }
0x46: {  	v1 =	vld [tilespmem:s25+$0x30]  }
0x47: {  	[tilespmem:s25+$0x1A710] =	vst.add.f32.msk $0xffff, v0  }
0x48: {  	v0 =	vld.idx.msk [tilespmem:v2+s14+$0x0], $0xffff;
	_ =	sdelay $0x4  }
0x49: {  	v2 =	vld [tilespmem:s25+$0x40]  }
0x4a: {  	[tilespmem:s25+$0x1A720] =	vst.add.f32.msk $0xffff, v0  }
0x4b: {  	v0 =	vld.idx.msk [tilespmem:v1+s14+$0x0], $0xffff;
	_ =	sdelay $0x4  }
0x4c: {  	v1 =	vld [tilespmem:s25+$0x50]  }
0x4d: {  	[tilespmem:s25+$0x1A730] =	vst.add.f32.msk $0xffff, v0  }
0x4e: {  	v0 =	vld.idx.msk [tilespmem:v2+s14+$0x0], $0xffff;
	_ =	sdelay $0x4  }
0x4f: {  	v2 =	vld [tilespmem:s25+$0x60]  }
0x50: {  	[tilespmem:s25+$0x1A740] =	vst.add.f32.msk $0xffff, v0  }
0x51: {  	v1 =	vld.idx.msk [tilespmem:v1+s14+$0x0], $0xffff;
	_ =	sdelay $0x4  }
0x52: {  	v0 =	vld [tilespmem:s25+$0x70]  }
.Ltmp0:
0x53: {  	[tilespmem:s25+$0x1A750] =	vst.add.f32.msk $0xffff, v1;
	(pc) =	sbr.rel @p0 .LBB2_2-.Ltmp0, $2  }
0x54: {  	v1 =	vld.idx.msk [tilespmem:v2+s14+$0x0], $0xffff;
	_ =	sdelay $0x2  }
0x55: {  	s28 =	sadd.s32 $0x200, s28  }
0x56: {  	_ =	sdelay $0x2  }
0x57: {  	[tilespmem:s25+$0x1A760] =	vst.add.f32.msk $0xffff, v1  }
0x58: {  	v0 =	vld.idx.msk [tilespmem:v0+s14+$0x0], $0xffff;
	_ =	sdelay $0x4  }
0x59: {  	[tilespmem:s25+$0x1A770] =	vst.add.f32.msk $0xffff, v0  }
0x5a: {  	_ =	strace $0x90000049  }
0x5b: {  	_ =	strace $0x8000004A  }
0x5c: {  	[hbm4b:s6+s12] =	stream.strided.scatter [tilespmem:s15], [sflag:$0x5], $0x2000, s13, s12, $0x200038;
	[tilespmem:$0x1E700] =	vst v63  }
0x5d: {  	_ = 	snop  }
0x5e: {  	[tilespmem:s14], [sflag:$0x2] =	stream.strided.gather [hbm4b:s7+s12], $0x18700, s13, s12, $0x200038;
	[tilespmem:$0x1E700] =	vst v63  }
0x5f: {  	_ = 	snop  }
0x60: {  	[tilespmem:s19], [sflag:$0x4] =	stream.strided.gather [hbm4b:s8+s12], $0x2000, s13, s12, $0x200038;
	[tilespmem:$0x1E700] =	vst v63  }
0x61: {  	_ =	swait.ge [sflag:s20], $0x2000  }
0x62: {  	[sflag:s20] =	ssyncset.done $0x0  }
0x63: {  	[sflag:s20] =	ssyncadd.s32 $0xFFFFE000  }
0x64: {  	_ =	swait.ge [sflag:s18], $0x18700  }
0x65: {  	[sflag:s18] =	ssyncset.done $0x0  }
0x66: {  	[sflag:s18] =	ssyncadd.s32 $0xFFFE7900  }
0x67: {  	_ =	strace $0x9000004A  }
0x68: {  	s25 =	simm.s32 $0x0;
	_ =	strace $0x8000004B  }
0x69: {  	v0 =	vld [tilespmem:s25+$0x0];
	_ =	sdelay $0x5  }
0x6a: {  	v1 =	vld [tilespmem:s25+$0x10];
	_ =	sdelay $0x1  }
0x6b: {  	v0 =	vld.idx.msk [tilespmem:v0+s14+$0x0], $0xffff;
	_ =	sdelay $0x3  }
0x6c: {  	v2 =	vld [tilespmem:s25+$0x20]  }
0x6d: {  	[tilespmem:s25+$0x1C700] =	vst.add.f32.msk $0xffff, v0  }
0x6e: {  	v0 =	vld.idx.msk [tilespmem:v1+s14+$0x0], $0xffff;
	_ =	sdelay $0x3  }
0x6f: {  	v1 =	vld [tilespmem:s25+$0x30]  }
0x70: {  	[tilespmem:s25+$0x1C710] =	vst.add.f32.msk $0xffff, v0  }
0x71: {  	v0 =	vld.idx.msk [tilespmem:v2+s14+$0x0], $0xffff;
	_ =	sdelay $0x3  }
0x72: {  	v2 =	vld [tilespmem:s25+$0x40]  }
0x73: {  	[tilespmem:s25+$0x1C720] =	vst.add.f32.msk $0xffff, v0  }
0x74: {  	v0 =	vld.idx.msk [tilespmem:v1+s14+$0x0], $0xffff;
	_ =	sdelay $0x3  }
0x75: {  	v1 =	vld [tilespmem:s25+$0x50]  }
0x76: {  	[tilespmem:s25+$0x1C730] =	vst.add.f32.msk $0xffff, v0  }
0x77: {  	v0 =	vld.idx.msk [tilespmem:v2+s14+$0x0], $0xffff;
	_ =	sdelay $0x3  }
0x78: {  	v2 =	vld [tilespmem:s25+$0x60]  }
0x79: {  	[tilespmem:s25+$0x1C740] =	vst.add.f32.msk $0xffff, v0  }
0x7a: {  	v1 =	vld.idx.msk [tilespmem:v1+s14+$0x0], $0xffff;
	_ =	sdelay $0x3  }
0x7b: {  	v0 =	vld [tilespmem:s25+$0x70]  }
0x7c: {  	[tilespmem:s25+$0x1C750] =	vst.add.f32.msk $0xffff, v1  }
0x7d: {  	v1 =	vld.idx.msk [tilespmem:v2+s14+$0x0], $0xffff;
	_ =	sdelay $0x1  }
0x7e: {  	s26 =	simm.s32 $0x0;
	s28 =	simm.s32 $0x200  }
.LBB2_4:
0x7f: {  	s29 =	sshra.s32 s28, $0x2  }
0x80: {  	s26 =	sadd.s32 $0x8, s26;
	v2 =	vld [tilespmem:s29+$0x0]  }
0x81: {  	p0 =	slt.u32 s26, $0xF8;
	[tilespmem:s25+$0x1C760] =	vst.add.f32.msk $0xffff, v1  }
0x82: {  	v0 =	vld.idx.msk [tilespmem:v0+s14+$0x0], $0xffff;
	_ =	sdelay $0x4  }
0x83: {  	v1 =	vld [tilespmem:s29+$0x10]  }
0x84: {  	[tilespmem:s25+$0x1C770] =	vst.add.f32.msk $0xffff, v0;
	s25 =	smov.u32 s29  }
0x85: {  	v0 =	vld.idx.msk [tilespmem:v2+s14+$0x0], $0xffff;
	_ =	sdelay $0x4  }
0x86: {  	v2 =	vld [tilespmem:s25+$0x20]  }
0x87: {  	[tilespmem:s25+$0x1C700] =	vst.add.f32.msk $0xffff, v0  }
0x88: {  	v0 =	vld.idx.msk [tilespmem:v1+s14+$0x0], $0xffff;
	_ =	sdelay $0x4  }
0x89: {  	v1 =	vld [tilespmem:s25+$0x30]  }
0x8a: {  	[tilespmem:s25+$0x1C710] =	vst.add.f32.msk $0xffff, v0  }
0x8b: {  	v0 =	vld.idx.msk [tilespmem:v2+s14+$0x0], $0xffff;
	_ =	sdelay $0x4  }
0x8c: {  	v2 =	vld [tilespmem:s25+$0x40]  }
0x8d: {  	[tilespmem:s25+$0x1C720] =	vst.add.f32.msk $0xffff, v0  }
0x8e: {  	v0 =	vld.idx.msk [tilespmem:v1+s14+$0x0], $0xffff;
	_ =	sdelay $0x4  }
0x8f: {  	v1 =	vld [tilespmem:s25+$0x50]  }
0x90: {  	[tilespmem:s25+$0x1C730] =	vst.add.f32.msk $0xffff, v0  }
0x91: {  	v0 =	vld.idx.msk [tilespmem:v2+s14+$0x0], $0xffff;
	_ =	sdelay $0x4  }
0x92: {  	v2 =	vld [tilespmem:s25+$0x60]  }
0x93: {  	[tilespmem:s25+$0x1C740] =	vst.add.f32.msk $0xffff, v0  }
0x94: {  	v1 =	vld.idx.msk [tilespmem:v1+s14+$0x0], $0xffff;
	_ =	sdelay $0x4  }
0x95: {  	v0 =	vld [tilespmem:s25+$0x70]  }
.Ltmp1:
0x96: {  	[tilespmem:s25+$0x1C750] =	vst.add.f32.msk $0xffff, v1;
	(pc) =	sbr.rel @p0 .LBB2_4-.Ltmp1, $2  }
0x97: {  	v1 =	vld.idx.msk [tilespmem:v2+s14+$0x0], $0xffff;
	_ =	sdelay $0x2  }
0x98: {  	s28 =	sadd.s32 $0x200, s28  }
0x99: {  	_ =	sdelay $0x2  }
0x9a: {  	[tilespmem:s25+$0x1C760] =	vst.add.f32.msk $0xffff, v1  }
0x9b: {  	v0 =	vld.idx.msk [tilespmem:v0+s14+$0x0], $0xffff;
	_ =	sdelay $0x4  }
0x9c: {  	[tilespmem:s25+$0x1C770] =	vst.add.f32.msk $0xffff, v0;
	s25 =	simm.s32 $0x0  }
0x9d: {  	[hbm4b:s9+s12] =	stream.strided.scatter [tilespmem:s19], [sflag:$0x5], $0x1000, s13, s12, $0x200038;
	[tilespmem:$0x1E700] =	vst v63  }
0x9e: {  	v0 =	vld [tilespmem:s25+$0x1000];
	_ =	sdelay $0x5  }
0x9f: {  	v1 =	vld [tilespmem:s25+$0x1010];
	_ =	sdelay $0x1  }
0xa0: {  	v0 =	vld.idx.msk [tilespmem:v0+s14+$0x0], $0xffff;
	_ =	sdelay $0x3  }
0xa1: {  	v2 =	vld [tilespmem:s25+$0x1020]  }
0xa2: {  	[tilespmem:s25+$0x1D700] =	vst.add.f32.msk $0xffff, v0  }
0xa3: {  	v0 =	vld.idx.msk [tilespmem:v1+s14+$0x0], $0xffff;
	_ =	sdelay $0x3  }
0xa4: {  	v1 =	vld [tilespmem:s25+$0x1030]  }
0xa5: {  	[tilespmem:s25+$0x1D710] =	vst.add.f32.msk $0xffff, v0  }
0xa6: {  	v0 =	vld.idx.msk [tilespmem:v2+s14+$0x0], $0xffff;
	_ =	sdelay $0x3  }
0xa7: {  	v2 =	vld [tilespmem:s25+$0x1040]  }
0xa8: {  	[tilespmem:s25+$0x1D720] =	vst.add.f32.msk $0xffff, v0  }
0xa9: {  	v0 =	vld.idx.msk [tilespmem:v1+s14+$0x0], $0xffff;
	_ =	sdelay $0x3  }
0xaa: {  	v1 =	vld [tilespmem:s25+$0x1050]  }
0xab: {  	[tilespmem:s25+$0x1D730] =	vst.add.f32.msk $0xffff, v0  }
0xac: {  	v0 =	vld.idx.msk [tilespmem:v2+s14+$0x0], $0xffff;
	_ =	sdelay $0x3  }
0xad: {  	v2 =	vld [tilespmem:s25+$0x1060]  }
0xae: {  	[tilespmem:s25+$0x1D740] =	vst.add.f32.msk $0xffff, v0  }
0xaf: {  	v1 =	vld.idx.msk [tilespmem:v1+s14+$0x0], $0xffff;
	_ =	sdelay $0x3  }
0xb0: {  	v0 =	vld [tilespmem:s25+$0x1070]  }
0xb1: {  	[tilespmem:s25+$0x1D750] =	vst.add.f32.msk $0xffff, v1  }
0xb2: {  	v1 =	vld.idx.msk [tilespmem:v2+s14+$0x0], $0xffff;
	_ =	sdelay $0x1  }
0xb3: {  	s26 =	simm.s32 $0x100;
	s28 =	simm.s32 $0x200  }
.LBB2_6:
0xb4: {  	s29 =	sshra.s32 s28, $0x2  }
0xb5: {  	s26 =	sadd.s32 $0x8, s26;
	v2 =	vld [tilespmem:s29+$0x1000]  }
0xb6: {  	p0 =	slt.u32 s26, $0x1F8;
	[tilespmem:s25+$0x1D760] =	vst.add.f32.msk $0xffff, v1  }
0xb7: {  	v0 =	vld.idx.msk [tilespmem:v0+s14+$0x0], $0xffff;
	_ =	sdelay $0x4  }
0xb8: {  	v1 =	vld [tilespmem:s29+$0x1010]  }
0xb9: {  	[tilespmem:s25+$0x1D770] =	vst.add.f32.msk $0xffff, v0;
	s25 =	smov.u32 s29  }
0xba: {  	v0 =	vld.idx.msk [tilespmem:v2+s14+$0x0], $0xffff;
	_ =	sdelay $0x4  }
0xbb: {  	v2 =	vld [tilespmem:s25+$0x1020]  }
0xbc: {  	[tilespmem:s25+$0x1D700] =	vst.add.f32.msk $0xffff, v0  }
0xbd: {  	v0 =	vld.idx.msk [tilespmem:v1+s14+$0x0], $0xffff;
	_ =	sdelay $0x4  }
0xbe: {  	v1 =	vld [tilespmem:s25+$0x1030]  }
0xbf: {  	[tilespmem:s25+$0x1D710] =	vst.add.f32.msk $0xffff, v0  }
0xc0: {  	v0 =	vld.idx.msk [tilespmem:v2+s14+$0x0], $0xffff;
	_ =	sdelay $0x4  }
0xc1: {  	v2 =	vld [tilespmem:s25+$0x1040]  }
0xc2: {  	[tilespmem:s25+$0x1D720] =	vst.add.f32.msk $0xffff, v0  }
0xc3: {  	v0 =	vld.idx.msk [tilespmem:v1+s14+$0x0], $0xffff;
	_ =	sdelay $0x4  }
0xc4: {  	v1 =	vld [tilespmem:s25+$0x1050]  }
0xc5: {  	[tilespmem:s25+$0x1D730] =	vst.add.f32.msk $0xffff, v0  }
0xc6: {  	v0 =	vld.idx.msk [tilespmem:v2+s14+$0x0], $0xffff;
	_ =	sdelay $0x4  }
0xc7: {  	v2 =	vld [tilespmem:s25+$0x1060]  }
0xc8: {  	[tilespmem:s25+$0x1D740] =	vst.add.f32.msk $0xffff, v0  }
0xc9: {  	v1 =	vld.idx.msk [tilespmem:v1+s14+$0x0], $0xffff;
	_ =	sdelay $0x4  }
0xca: {  	v0 =	vld [tilespmem:s25+$0x1070]  }
.Ltmp2:
0xcb: {  	[tilespmem:s25+$0x1D750] =	vst.add.f32.msk $0xffff, v1;
	(pc) =	sbr.rel @p0 .LBB2_6-.Ltmp2, $2  }
0xcc: {  	v1 =	vld.idx.msk [tilespmem:v2+s14+$0x0], $0xffff;
	_ =	sdelay $0x2  }
0xcd: {  	s28 =	sadd.s32 $0x200, s28  }
0xce: {  	_ =	sdelay $0x2  }
0xcf: {  	[tilespmem:s25+$0x1D760] =	vst.add.f32.msk $0xffff, v1  }
0xd0: {  	v0 =	vld.idx.msk [tilespmem:v0+s14+$0x0], $0xffff;
	_ =	sdelay $0x4  }
0xd1: {  	[tilespmem:s25+$0x1D770] =	vst.add.f32.msk $0xffff, v0  }
0xd2: {  	_ =	strace $0x9000004B  }
0xd3: {  	_ =	strace $0x8000004C  }
0xd4: {  	_ =	swait.ge [sflag:s21], $0x2000  }
0xd5: {  	[sflag:s21] =	ssyncset.done $0x0  }
0xd6: {  	[sflag:s21] =	ssyncadd.s32 $0xFFFFE000  }
0xd7: {  	_ =	swait.ge [sflag:s21], $0x1000  }
0xd8: {  	s24 =	sadd.s32 $0x1, s24;
	[sflag:s21] =	ssyncset.done $0x0  }
0xd9: {  	p0 =	sne.s32 s24, s11;
	[sflag:s21] =	ssyncadd.s32 $0xFFFFF000  }
0xda: {  	[hbm4b:s10+s12] =	stream.strided.scatter [tilespmem:s22], [sflag:$0x6], $0x1000, s13, s12, $0x200038;
	[tilespmem:$0x1E700] =	vst v63  }
.Ltmp3:
0xdb: {  	_ = 	snop;
	(pc) =	sbr.rel @p0 .LBB2_1-.Ltmp3, $4  }
0xdc: {  	_ =	swait.ge [sflag:s23], $0x1000  }
0xdd: {  	[sflag:s23] =	ssyncset.done $0x0  }
0xde: {  	[sflag:s23] =	ssyncadd.s32 $0xFFFFF000  }
0xdf: {  	_ =	strace $0x9000004C  }
0xe0: {  	_ =	sfence.sel $0x180000  }
0xe1: {  	[bflag:$0x0] =	sbarrier.arrive $0xFFFF  }
0xe2: {  	p0 =	sne.s32 s2, $0x0;
	_ =	strace $0x90000047  }
0xe3: {  	s0 =	sadd.s32 @!p0 $0x100000, s0;
	[bflag:$0x2] =	sbarrier.arrive $0xFFFF  }
0xe4: {  	[sflag:s0] =	ssyncadd.tile.s32 @!p0 $0x1;
	_ =	shalt  }
.Lfunc_end2:
_tile_overlayer_lowered:
.L_overlay_start_2:
0xe5: {  	(tag) =	ssettag $0x2  }
0xe6: {  	s0 =	rddreg [dreg:$0x0];
	s2 =	stileid.u32  }
0xe7: {  	s1 =	rddreg [dreg:$0x1];
	p0 =	sne.s32 s2, $0x0  }
0xe8: {  	s3 =	rddreg [dreg:$0x2];
	[bflag:$0x3] =	sbarrier.arrive $0xFFFF;
	s2 =	simm.s32 @!p0 $0x1C06  }
0xe9: {  	[timem:s3], [sflag:s2] =	dma.local @!p0 [hbm:s0], s1  }
0xea: {  	s0 =	simm.s32 @!p0 $0x6  }
0xeb: {  	_ =	swait.ge @!p0 [sflag:s0], s1  }
0xec: {  	s1 =	ssub.s32 @!p0 $0x0, s1;
	[sflag:s0] =	ssyncset.done @!p0 $0x0  }
0xed: {  	[sflag:s0] =	ssyncadd.s32 @!p0 s1  }
0xee: {  	[bflag:$0x3] =	sbarrier.arrive $0xFFFF  }
0xef: {  	_ =	shalt  }

</sc_bundles>
